<compile_context>
chip_gen: v7x
topology: tpu7x:2x2x1
jax: 0.10.2.dev20260603
libtpu: 0.0.44.dev20260713+nightly
codegen_flags: <defaults>
</compile_context>

<pallas_src>
import functools

import jax
import jax.numpy as jnp
from jax import lax
from jax.experimental import pallas as pl
from jax.experimental.pallas import tpu as pltpu
from jax.experimental.pallas import tpu_sc as plsc

H = 128
EPS = 1e-05
BB = 128
NBUF = 4


def _sc_gather(table, idx_pad, n_pad):
    info = plsc.get_sparse_core_info()
    nw = info.num_cores * info.num_subcores
    per = n_pad // nw

    @functools.partial(
        pl.kernel,
        mesh=plsc.VectorSubcoreMesh(core_axis_name="c", subcore_axis_name="s"),
        out_type=jax.ShapeDtypeStruct((n_pad, H), jnp.float32),
        scratch_types=[
            pltpu.VMEM((per,), jnp.int32),
            pltpu.VMEM((per, H), jnp.float32),
            pltpu.SemaphoreType.DMA,
        ],
    )
    def gk(table_hbm, idx_hbm, out_hbm, idx_v, rows_v, sem):
        wid = lax.axis_index("s") * info.num_cores + lax.axis_index("c")
        base = wid * per
        pltpu.sync_copy(idx_hbm.at[pl.ds(base, per)], idx_v)
        pltpu.async_copy(table_hbm.at[idx_v], rows_v, sem).wait()
        pltpu.sync_copy(rows_v, out_hbm.at[pl.ds(base, per)])

    return gk(table, idx_pad)


def _main_body(l, emb_ref, mask_ref, lnw_ref, lnb_ref, bias_ref, w_ref,
               x_ref, out_ref, *rest):
    bufs, sems = rest[:NBUF], rest[NBUF:]
    cl = mask_ref.shape[0]

    e = emb_ref[0:cl, :]
    mu = jnp.mean(e, axis=1, keepdims=True)
    d = e - mu
    var = jnp.mean(d * d, axis=1, keepdims=True)
    ln = d * lax.rsqrt(var + EPS) * lnw_ref[:] + lnb_ref[:]
    m = mask_ref[:]
    s = jnp.sum((ln * m).reshape(cl // l, l, H), axis=1)
    cnt = jnp.sum(m.reshape(cl // l, l, 1), axis=1)
    col = s / cnt

    dn = (((1,), (1,)), ((), ()))
    p = lax.dot_general(col, w_ref[:], dn,
                        precision=lax.Precision.HIGHEST,
                        preferred_element_type=jnp.float32)
    q = lax.dot_general(bias_ref[:], w_ref[:], dn,
                        precision=lax.Precision.HIGHEST,
                        preferred_element_type=jnp.float32)

    cb = bufs[0].shape[0]
    nch = x_ref.shape[0] // cb
    for j in range(nch):
        r = j % NBUF
        if j >= NBUF:
            pltpu.make_async_copy(
                bufs[r], out_ref.at[pl.ds((j - NBUF) * cb, cb)],
                sems[r]).wait()
        x = x_ref[pl.ds(j * cb, cb), :]
        bufs[r][:] = x[:, :, None] * p + q
        pltpu.make_async_copy(
            bufs[r], out_ref.at[pl.ds(j * cb, cb)], sems[r]).start()
    for j in range(max(nch - NBUF, 0), nch):
        r = j % NBUF
        pltpu.make_async_copy(
            bufs[r], out_ref.at[pl.ds(j * cb, cb)], sems[r]).wait()


def kernel(x_num, num_col_input_ids, num_att_mask, word_emb, ln_w, ln_b, num_bias, align_W):
    b, c = x_num.shape
    l = num_col_input_ids.shape[1]
    cl = c * l
    n_pad = ((cl + 255) // 256) * 256

    ids = num_col_input_ids.reshape(cl).astype(jnp.int32)
    ids = jnp.pad(ids, (0, n_pad - cl))
    emb = _sc_gather(word_emb, ids, n_pad)

    mask = num_att_mask.reshape(cl, 1).astype(jnp.float32)
    out = pl.pallas_call(
        functools.partial(_main_body, l),
        out_specs=pl.BlockSpec(memory_space=pl.ANY),
        out_shape=jax.ShapeDtypeStruct((b, c, H), jnp.float32),
        scratch_shapes=(
            [pltpu.VMEM((BB, c, H), jnp.float32) for _ in range(NBUF)]
            + [pltpu.SemaphoreType.DMA for _ in range(NBUF)]
        ),
    )(emb, mask, ln_w.reshape(1, H), ln_b.reshape(1, H),
      num_bias.reshape(1, H), align_W, x_num)

    attention_mask = jnp.ones((b, c), dtype=jnp.float32)
    return (out, attention_mask)

# --- scband reference (transcript-rebuilt; emitter-appended) ---
"""Pipeline reference for scband-feature-processor-12189117186606 (READ-ONLY COPY).

The authoritative reference and input builder live on the scoring server;
editing this copy changes nothing except your own understanding.
"""

import jax, jax.numpy as jnp
import numpy as np

VOCAB = 100000
H = 128
B = 4096
C = 100
L = 20
EPS = 1e-05


def setup_inputs(seed: int = 0) -> dict:
    key = jax.random.key(seed)
    ks = jax.random.split(key, 6)
    x_num = jax.random.normal(ks[0], (B, C), dtype=jnp.float32)
    num_col_input_ids = jax.random.randint(ks[1], (C, L), 0, VOCAB, dtype=jnp.int64)
    num_att_mask = jax.random.randint(ks[2], (C, L), 0, 2, dtype=jnp.int64)
    # nn.Embedding weight with kaiming_normal_ init (fan_in=H, gain=sqrt(2))
    word_emb = jax.random.normal(ks[3], (VOCAB, H), dtype=jnp.float32) * np.sqrt(2.0 / H)
    word_emb = word_emb.at[0].set(0.0)  # padding_idx = 0
    ln_w = jnp.ones((H,), dtype=jnp.float32)
    ln_b = jnp.zeros((H,), dtype=jnp.float32)
    bound = 1.0 / np.sqrt(H)
    num_bias = jax.random.uniform(ks[4], (1, 1, H), dtype=jnp.float32, minval=-bound, maxval=bound)
    align_W = jax.random.uniform(ks[5], (H, H), dtype=jnp.float32, minval=-bound, maxval=bound)
    return {
        'x_num': x_num,
        'num_col_input_ids': num_col_input_ids,
        'num_att_mask': num_att_mask,
        'word_emb': word_emb,
        'ln_w': ln_w,
        'ln_b': ln_b,
        'num_bias': num_bias,
        'align_W': align_W,
    }


def reference(x_num, num_col_input_ids, num_att_mask, word_emb, ln_w, ln_b, num_bias, align_W):
    # WordEmbedding: gather + LayerNorm (dropout p=0 is identity)
    emb = jnp.take(word_emb, num_col_input_ids, axis=0)  # (C, L, H)
    mu = jnp.mean(emb, axis=-1, keepdims=True)
    var = jnp.mean((emb - mu) ** 2, axis=-1, keepdims=True)
    emb = (emb - mu) / jnp.sqrt(var + EPS) * ln_w + ln_b
    # _avg_embedding_by_mask
    mask = num_att_mask.astype(emb.dtype)
    emb = emb * mask[..., None]
    col_emb = emb.sum(axis=1) / num_att_mask.sum(axis=1, keepdims=True).astype(emb.dtype)  # (C, H)
    # NumEmbedding
    feat = col_emb[None, :, :] * x_num[:, :, None].astype(jnp.float32) + num_bias  # (B, C, H)
    # align_layer: Linear without bias -> x @ W^T
    out = feat @ align_W.T
    attention_mask = jnp.ones((out.shape[0], out.shape[1]), dtype=jnp.float32)
    return (out, attention_mask)

if __name__ == "__main__":
    import jax
    _d = setup_inputs()
    print(jax.jit(kernel)(*tuple(_d.values())))

</pallas_src>

<mosaic_0001>
#map = affine_map<(d0, d1) -> (0, 0)>
#map1 = affine_map<(d0, d1) -> (0)>
module attributes {stable_mosaic.version = 14 : i64} {
  func.func @gk(%arg0: i32, %arg1: i32, %arg2: memref<100000x128xf32, #tpu.memory_space<hbm>>, %arg3: memref<2048xi32, #tpu.memory_space<hbm>>, %arg4: memref<2048x128xf32, #tpu.memory_space<hbm>>, %arg5: memref<64xi32, #tpu.memory_space<vmem>>, %arg6: memref<64x128xf32, #tpu.memory_space<vmem>>, %arg7: memref<!tpu.dma_semaphore, #tpu.memory_space<semaphore_mem>>) attributes {dimension_semantics = [#tpu.dimension_semantics<core_parallel>, #tpu.dimension_semantics<subcore_parallel>], iteration_bounds = array<i64: 2, 16>, scalar_prefetch = 0 : i64, scratch_operands = 3 : i64, tpu.core_type = #tpu.core_type<sc_vector_subcore>, window_params = [{transform_indices = #map}, {transform_indices = #map1}, {transform_indices = #map}]} {
    %mul3A = arith.constant 2 : i32
    %mul3A_0 = arith.muli %arg1, %mul3A : i32
    %add3A = arith.addi %mul3A_0, %arg0 : i32
    %mul3A_1 = arith.constant 64 : i32
    %mul3A_2 = arith.muli %add3A, %mul3A_1 : i32
    "tpu.region"() ({
      %run_scoped3A = tpu.sem_alloc : memref<!tpu.dma_semaphore, #tpu.memory_space<semaphore_mem>>
      %dma_start3A_7 = tpu.memref_slice %arg3[%mul3A_2] : memref<2048xi32, #tpu.memory_space<hbm>> -> memref<64xi32, #tpu.memory_space<hbm>>
      %dma_start3A_8 = tpu.memref_slice %arg3[%mul3A_2] : memref<2048xi32, #tpu.memory_space<hbm>> -> memref<64xi32, #tpu.memory_space<hbm>>
      tpu.enqueue_dma source(%dma_start3A_8 : memref<64xi32, #tpu.memory_space<hbm>>) target(%arg5 : memref<64xi32, #tpu.memory_space<vmem>>) target_semaphore(%run_scoped3A : memref<!tpu.dma_semaphore, #tpu.memory_space<semaphore_mem>>)
      %dma_wait3A_9 = tpu.memref_slice %arg3[%mul3A_2] : memref<2048xi32, #tpu.memory_space<hbm>> -> memref<64xi32, #tpu.memory_space<hbm>>
      %dma_wait3A_10 = tpu.memref_slice %arg3[%mul3A_2] : memref<2048xi32, #tpu.memory_space<hbm>> -> memref<64xi32, #tpu.memory_space<hbm>>
      tpu.wait_dma2 semaphore(%run_scoped3A : memref<!tpu.dma_semaphore, #tpu.memory_space<semaphore_mem>>) src(%dma_wait3A_10 : memref<64xi32, #tpu.memory_space<hbm>>) dst(%arg5 : memref<64xi32, #tpu.memory_space<vmem>>)
      tpu.yield
    }) : () -> ()
    %dma_start3A = arith.constant 0 : i32
    %dma_start3A_3 = arith.constant 0 : i32
    %dma_start3A_4 = tpu.memref_slice %arg2[%dma_start3A, %dma_start3A_3] : memref<100000x128xf32, #tpu.memory_space<hbm>> -> memref<100000x128xf32, #tpu.memory_space<hbm>>
    tpu.enqueue_indirect_dma source(%dma_start3A_4 : memref<100000x128xf32, #tpu.memory_space<hbm>>) target(%arg6 : memref<64x128xf32, #tpu.memory_space<vmem>>) offsets(%arg5 : memref<64xi32, #tpu.memory_space<vmem>>) semaphore(%arg7 : memref<!tpu.dma_semaphore, #tpu.memory_space<semaphore_mem>>)
    %dma_wait3A = arith.constant 0 : i32
    %dma_wait3A_5 = arith.constant 0 : i32
    %dma_wait3A_6 = tpu.memref_slice %arg2[%dma_wait3A, %dma_wait3A_5] : memref<100000x128xf32, #tpu.memory_space<hbm>> -> memref<100000x128xf32, #tpu.memory_space<hbm>>
    tpu.wait_indirect_dma semaphore(%arg7 : memref<!tpu.dma_semaphore, #tpu.memory_space<semaphore_mem>>) src(%dma_wait3A_6 : memref<100000x128xf32, #tpu.memory_space<hbm>>) dst(%arg6 : memref<64x128xf32, #tpu.memory_space<vmem>>)
    "tpu.region"() ({
      %run_scoped3A = tpu.sem_alloc : memref<!tpu.dma_semaphore, #tpu.memory_space<semaphore_mem>>
      %dma_start3A_7 = arith.constant 0 : i32
      %dma_start3A_8 = tpu.memref_slice %arg4[%mul3A_2, %dma_start3A_7] : memref<2048x128xf32, #tpu.memory_space<hbm>> -> memref<64x128xf32, #tpu.memory_space<hbm>>
      %dma_start3A_9 = arith.constant 0 : i32
      %dma_start3A_10 = tpu.memref_slice %arg4[%mul3A_2, %dma_start3A_9] : memref<2048x128xf32, #tpu.memory_space<hbm>> -> memref<64x128xf32, #tpu.memory_space<hbm>>
      tpu.enqueue_dma source(%arg6 : memref<64x128xf32, #tpu.memory_space<vmem>>) target(%dma_start3A_10 : memref<64x128xf32, #tpu.memory_space<hbm>>) target_semaphore(%run_scoped3A : memref<!tpu.dma_semaphore, #tpu.memory_space<semaphore_mem>>)
      %dma_wait3A_11 = arith.constant 0 : i32
      %dma_wait3A_12 = tpu.memref_slice %arg4[%mul3A_2, %dma_wait3A_11] : memref<2048x128xf32, #tpu.memory_space<hbm>> -> memref<64x128xf32, #tpu.memory_space<hbm>>
      %dma_wait3A_13 = arith.constant 0 : i32
      %dma_wait3A_14 = tpu.memref_slice %arg4[%mul3A_2, %dma_wait3A_13] : memref<2048x128xf32, #tpu.memory_space<hbm>> -> memref<64x128xf32, #tpu.memory_space<hbm>>
      tpu.wait_dma2 semaphore(%run_scoped3A : memref<!tpu.dma_semaphore, #tpu.memory_space<semaphore_mem>>) src(%arg6 : memref<64x128xf32, #tpu.memory_space<vmem>>) dst(%dma_wait3A_14 : memref<64x128xf32, #tpu.memory_space<hbm>>)
      tpu.yield
    }) : () -> ()
    return
  }
}

module attributes {stable_mosaic.version = 14 : i64} {
  func.func @_main_body(%arg0: memref<2048x128xf32, #tpu.memory_space<vmem>>, %arg1: memref<2000x1xf32, #tpu.memory_space<vmem>>, %arg2: memref<1x128xf32, #tpu.memory_space<vmem>>, %arg3: memref<1x128xf32, #tpu.memory_space<vmem>>, %arg4: memref<1x128xf32, #tpu.memory_space<vmem>>, %arg5: memref<128x128xf32, #tpu.memory_space<vmem>>, %arg6: memref<4096x100xf32, #tpu.memory_space<vmem>>, %arg7: memref<4096x100x128xf32, #tpu.memory_space<any>>, %arg8: memref<128x100x128xf32, #tpu.memory_space<vmem>>, %arg9: memref<128x100x128xf32, #tpu.memory_space<vmem>>, %arg10: memref<128x100x128xf32, #tpu.memory_space<vmem>>, %arg11: memref<128x100x128xf32, #tpu.memory_space<vmem>>, %arg12: memref<!tpu.dma_semaphore, #tpu.memory_space<semaphore_mem>>, %arg13: memref<!tpu.dma_semaphore, #tpu.memory_space<semaphore_mem>>, %arg14: memref<!tpu.dma_semaphore, #tpu.memory_space<semaphore_mem>>, %arg15: memref<!tpu.dma_semaphore, #tpu.memory_space<semaphore_mem>>) attributes {dimension_semantics = [], scalar_prefetch = 0 : i64, scratch_operands = 8 : i64, tpu.core_type = #tpu.core_type<tc>} {
    %get3A = arith.constant 0 : index
    %get3A_0 = arith.constant 0 : index
    %get3A_1 = vector.load %arg0[%get3A, %get3A_0] : memref<2048x128xf32, #tpu.memory_space<vmem>>, vector<2000x128xf32>
    %reduce_sum3A = arith.constant dense<0.000000e+00> : vector<2000xf32>
    %reduce_sum3A_2 = vector.multi_reduction <add>, %get3A_1, %reduce_sum3A [1] : vector<2000x128xf32> to vector<2000xf32>
    %broadcast_in_dim3A = vector.shape_cast %reduce_sum3A_2 : vector<2000xf32> to vector<2000x1xf32>
    %div3A = arith.constant 1.280000e+02 : f32
    %div3A_3 = vector.broadcast %div3A : f32 to vector<2000x1xf32>
    %div3A_4 = arith.divf %broadcast_in_dim3A, %div3A_3 : vector<2000x1xf32>
    %sub3A = vector.broadcast %div3A_4 : vector<2000x1xf32> to vector<2000x128xf32>
    %sub3A_5 = arith.subf %get3A_1, %sub3A : vector<2000x128xf32>
    %mul3A = arith.mulf %sub3A_5, %sub3A_5 : vector<2000x128xf32>
    %reduce_sum3A_6 = arith.constant dense<0.000000e+00> : vector<2000xf32>
    %reduce_sum3A_7 = vector.multi_reduction <add>, %mul3A, %reduce_sum3A_6 [1] : vector<2000x128xf32> to vector<2000xf32>
    %broadcast_in_dim3A_8 = vector.shape_cast %reduce_sum3A_7 : vector<2000xf32> to vector<2000x1xf32>
    %div3A_9 = arith.constant 1.280000e+02 : f32
    %div3A_10 = vector.broadcast %div3A_9 : f32 to vector<2000x1xf32>
    %div3A_11 = arith.divf %broadcast_in_dim3A_8, %div3A_10 : vector<2000x1xf32>
    %add3A = arith.constant 9.99999974E-6 : f32
    %add3A_12 = vector.broadcast %add3A : f32 to vector<2000x1xf32>
    %add3A_13 = arith.addf %div3A_11, %add3A_12 : vector<2000x1xf32>
    %rsqrt3A = math.rsqrt %add3A_13 : vector<2000x1xf32>
    %mul3A_14 = vector.broadcast %rsqrt3A : vector<2000x1xf32> to vector<2000x128xf32>
    %mul3A_15 = arith.mulf %sub3A_5, %mul3A_14 : vector<2000x128xf32>
    %get3A_16 = arith.constant 0 : index
    %get3A_17 = arith.constant 0 : index
    %get3A_18 = vector.load %arg2[%get3A_16, %get3A_17] : memref<1x128xf32, #tpu.memory_space<vmem>>, vector<1x128xf32>
    %mul3A_19 = vector.broadcast %get3A_18 : vector<1x128xf32> to vector<2000x128xf32>
    %mul3A_20 = arith.mulf %mul3A_15, %mul3A_19 : vector<2000x128xf32>
    %get3A_21 = arith.constant 0 : index
    %get3A_22 = arith.constant 0 : index
    %get3A_23 = vector.load %arg3[%get3A_21, %get3A_22] : memref<1x128xf32, #tpu.memory_space<vmem>>, vector<1x128xf32>
    %add3A_24 = vector.broadcast %get3A_23 : vector<1x128xf32> to vector<2000x128xf32>
    %add3A_25 = arith.addf %mul3A_20, %add3A_24 : vector<2000x128xf32>
    %get3A_26 = arith.constant 0 : index
    %get3A_27 = arith.constant 0 : index
    %get3A_28 = vector.load %arg1[%get3A_26, %get3A_27] : memref<2000x1xf32, #tpu.memory_space<vmem>>, vector<2000x1xf32>
    %mul3A_29 = vector.broadcast %get3A_28 : vector<2000x1xf32> to vector<2000x128xf32>
    %mul3A_30 = arith.mulf %add3A_25, %mul3A_29 : vector<2000x128xf32>
    %reshape3A = vector.shape_cast %mul3A_30 : vector<2000x128xf32> to vector<100x20x128xf32>
    %reduce_sum3A_31 = arith.constant dense<0.000000e+00> : vector<100x128xf32>
    %reduce_sum3A_32 = vector.multi_reduction <add>, %reshape3A, %reduce_sum3A_31 [1] : vector<100x20x128xf32> to vector<100x128xf32>
    %reshape3A_33 = vector.shape_cast %get3A_28 : vector<2000x1xf32> to vector<100x20x1xf32>
    %reduce_sum3A_34 = arith.constant dense<0.000000e+00> : vector<100x1xf32>
    %reduce_sum3A_35 = vector.multi_reduction <add>, %reshape3A_33, %reduce_sum3A_34 [1] : vector<100x20x1xf32> to vector<100x1xf32>
    %div3A_36 = vector.broadcast %reduce_sum3A_35 : vector<100x1xf32> to vector<100x128xf32>
    %div3A_37 = arith.divf %reduce_sum3A_32, %div3A_36 : vector<100x128xf32>
    %get3A_38 = arith.constant 0 : index
    %get3A_39 = arith.constant 0 : index
    %get3A_40 = vector.load %arg5[%get3A_38, %get3A_39] : memref<128x128xf32, #tpu.memory_space<vmem>>, vector<128x128xf32>
    %dot_general3A = arith.constant dense<0.000000e+00> : vector<100x128xf32>
    %dot_general3A_41 = tpu.matmul %div3A_37, %get3A_40, %dot_general3A {dimension_numbers = #tpu.dot_dimension_numbers<[1], [1], [0], [0], [0, 0, 1, 0], [], []>, precision = #tpu.contract_precision<fp32>, transpose_lhs_hint = false} : vector<100x128xf32>, vector<128x128xf32>, vector<100x128xf32> -> vector<100x128xf32>
    %get3A_42 = arith.constant 0 : index
    %get3A_43 = arith.constant 0 : index
    %get3A_44 = vector.load %arg4[%get3A_42, %get3A_43] : memref<1x128xf32, #tpu.memory_space<vmem>>, vector<1x128xf32>
    %get3A_45 = arith.constant 0 : index
    %get3A_46 = arith.constant 0 : index
    %get3A_47 = vector.load %arg5[%get3A_45, %get3A_46] : memref<128x128xf32, #tpu.memory_space<vmem>>, vector<128x128xf32>
    %dot_general3A_48 = arith.constant dense<0.000000e+00> : vector<1x128xf32>
    %dot_general3A_49 = tpu.matmul %get3A_44, %get3A_47, %dot_general3A_48 {dimension_numbers = #tpu.dot_dimension_numbers<[1], [1], [0], [0], [0, 0, 1, 0], [], []>, precision = #tpu.contract_precision<fp32>, transpose_lhs_hint = false} : vector<1x128xf32>, vector<128x128xf32>, vector<1x128xf32> -> vector<1x128xf32>
    %get3A_50 = arith.constant 0 : index
    %get3A_51 = arith.constant 0 : index
    %get3A_52 = vector.load %arg6[%get3A_50, %get3A_51] : memref<4096x100xf32, #tpu.memory_space<vmem>>, vector<128x100xf32>
    %broadcast_in_dim3A_53 = vector.shape_cast %get3A_52 : vector<128x100xf32> to vector<128x100x1xf32>
    %broadcast_in_dim3A_54 = vector.shape_cast %dot_general3A_41 : vector<100x128xf32> to vector<1x100x128xf32>
    %mul3A_55 = vector.broadcast %broadcast_in_dim3A_53 : vector<128x100x1xf32> to vector<128x100x128xf32>
    %mul3A_56 = vector.broadcast %broadcast_in_dim3A_54 : vector<1x100x128xf32> to vector<128x100x128xf32>
    %mul3A_57 = arith.mulf %mul3A_55, %mul3A_56 : vector<128x100x128xf32>
    %broadcast_in_dim3A_58 = vector.shape_cast %dot_general3A_49 : vector<1x128xf32> to vector<1x1x128xf32>
    %add3A_59 = vector.broadcast %broadcast_in_dim3A_58 : vector<1x1x128xf32> to vector<128x100x128xf32>
    %add3A_60 = arith.addf %mul3A_57, %add3A_59 : vector<128x100x128xf32>
    %swap3A = arith.constant 0 : index
    %swap3A_61 = arith.constant 0 : index
    %swap3A_62 = arith.constant 0 : index
    %swap3A_63 = vector.load %arg8[%swap3A, %swap3A_61, %swap3A_62] : memref<128x100x128xf32, #tpu.memory_space<vmem>>, vector<128x100x128xf32>
    tpu.vector_store %arg8[%swap3A, %swap3A_61, %swap3A_62], %add3A_60 {strides = array<i32>} : memref<128x100x128xf32, #tpu.memory_space<vmem>>, vector<128x100x128xf32>,
    %dma_start3A = arith.constant 0 : i32
    %dma_start3A_64 = arith.constant 0 : i32
    %dma_start3A_65 = arith.constant 0 : i32
    %dma_start3A_66 = tpu.memref_slice %arg7[%dma_start3A, %dma_start3A_64, %dma_start3A_65] : memref<4096x100x128xf32, #tpu.memory_space<any>> -> memref<128x100x128xf32, #tpu.memory_space<any>>
    tpu.enqueue_dma source(%arg8 : memref<128x100x128xf32, #tpu.memory_space<vmem>>) target(%dma_start3A_66 : memref<128x100x128xf32, #tpu.memory_space<any>>) target_semaphore(%arg12 : memref<!tpu.dma_semaphore, #tpu.memory_space<semaphore_mem>>)
    %get3A_67 = arith.constant 128 : index
    %get3A_68 = arith.constant 0 : index
    %get3A_69 = vector.load %arg6[%get3A_67, %get3A_68] : memref<4096x100xf32, #tpu.memory_space<vmem>>, vector<128x100xf32>
    %broadcast_in_dim3A_70 = vector.shape_cast %get3A_69 : vector<128x100xf32> to vector<128x100x1xf32>
    %broadcast_in_dim3A_71 = vector.shape_cast %dot_general3A_41 : vector<100x128xf32> to vector<1x100x128xf32>
    %mul3A_72 = vector.broadcast %broadcast_in_dim3A_70 : vector<128x100x1xf32> to vector<128x100x128xf32>
    %mul3A_73 = vector.broadcast %broadcast_in_dim3A_71 : vector<1x100x128xf32> to vector<128x100x128xf32>
    %mul3A_74 = arith.mulf %mul3A_72, %mul3A_73 : vector<128x100x128xf32>
    %broadcast_in_dim3A_75 = vector.shape_cast %dot_general3A_49 : vector<1x128xf32> to vector<1x1x128xf32>
    %add3A_76 = vector.broadcast %broadcast_in_dim3A_75 : vector<1x1x128xf32> to vector<128x100x128xf32>
    %add3A_77 = arith.addf %mul3A_74, %add3A_76 : vector<128x100x128xf32>
    %swap3A_78 = arith.constant 0 : index
    %swap3A_79 = arith.constant 0 : index
    %swap3A_80 = arith.constant 0 : index
    %swap3A_81 = vector.load %arg9[%swap3A_78, %swap3A_79, %swap3A_80] : memref<128x100x128xf32, #tpu.memory_space<vmem>>, vector<128x100x128xf32>
    tpu.vector_store %arg9[%swap3A_78, %swap3A_79, %swap3A_80], %add3A_77 {strides = array<i32>} : memref<128x100x128xf32, #tpu.memory_space<vmem>>, vector<128x100x128xf32>,
    %dma_start3A_82 = arith.constant 128 : i32
    %dma_start3A_83 = arith.constant 0 : i32
    %dma_start3A_84 = arith.constant 0 : i32
    %dma_start3A_85 = tpu.memref_slice %arg7[%dma_start3A_82, %dma_start3A_83, %dma_start3A_84] : memref<4096x100x128xf32, #tpu.memory_space<any>> -> memref<128x100x128xf32, #tpu.memory_space<any>>
    tpu.enqueue_dma source(%arg9 : memref<128x100x128xf32, #tpu.memory_space<vmem>>) target(%dma_start3A_85 : memref<128x100x128xf32, #tpu.memory_space<any>>) target_semaphore(%arg13 : memref<!tpu.dma_semaphore, #tpu.memory_space<semaphore_mem>>)
    %get3A_86 = arith.constant 256 : index
    %get3A_87 = arith.constant 0 : index
    %get3A_88 = vector.load %arg6[%get3A_86, %get3A_87] : memref<4096x100xf32, #tpu.memory_space<vmem>>, vector<128x100xf32>
    %broadcast_in_dim3A_89 = vector.shape_cast %get3A_88 : vector<128x100xf32> to vector<128x100x1xf32>
    %broadcast_in_dim3A_90 = vector.shape_cast %dot_general3A_41 : vector<100x128xf32> to vector<1x100x128xf32>
    %mul3A_91 = vector.broadcast %broadcast_in_dim3A_89 : vector<128x100x1xf32> to vector<128x100x128xf32>
    %mul3A_92 = vector.broadcast %broadcast_in_dim3A_90 : vector<1x100x128xf32> to vector<128x100x128xf32>
    %mul3A_93 = arith.mulf %mul3A_91, %mul3A_92 : vector<128x100x128xf32>
    %broadcast_in_dim3A_94 = vector.shape_cast %dot_general3A_49 : vector<1x128xf32> to vector<1x1x128xf32>
    %add3A_95 = vector.broadcast %broadcast_in_dim3A_94 : vector<1x1x128xf32> to vector<128x100x128xf32>
    %add3A_96 = arith.addf %mul3A_93, %add3A_95 : vector<128x100x128xf32>
    %swap3A_97 = arith.constant 0 : index
    %swap3A_98 = arith.constant 0 : index
    %swap3A_99 = arith.constant 0 : index
    %swap3A_100 = vector.load %arg10[%swap3A_97, %swap3A_98, %swap3A_99] : memref<128x100x128xf32, #tpu.memory_space<vmem>>, vector<128x100x128xf32>
    tpu.vector_store %arg10[%swap3A_97, %swap3A_98, %swap3A_99], %add3A_96 {strides = array<i32>} : memref<128x100x128xf32, #tpu.memory_space<vmem>>, vector<128x100x128xf32>,
    %dma_start3A_101 = arith.constant 256 : i32
    %dma_start3A_102 = arith.constant 0 : i32
    %dma_start3A_103 = arith.constant 0 : i32
    %dma_start3A_104 = tpu.memref_slice %arg7[%dma_start3A_101, %dma_start3A_102, %dma_start3A_103] : memref<4096x100x128xf32, #tpu.memory_space<any>> -> memref<128x100x128xf32, #tpu.memory_space<any>>
    tpu.enqueue_dma source(%arg10 : memref<128x100x128xf32, #tpu.memory_space<vmem>>) target(%dma_start3A_104 : memref<128x100x128xf32, #tpu.memory_space<any>>) target_semaphore(%arg14 : memref<!tpu.dma_semaphore, #tpu.memory_space<semaphore_mem>>)
    %get3A_105 = arith.constant 384 : index
    %get3A_106 = arith.constant 0 : index
    %get3A_107 = vector.load %arg6[%get3A_105, %get3A_106] : memref<4096x100xf32, #tpu.memory_space<vmem>>, vector<128x100xf32>
    %broadcast_in_dim3A_108 = vector.shape_cast %get3A_107 : vector<128x100xf32> to vector<128x100x1xf32>
    %broadcast_in_dim3A_109 = vector.shape_cast %dot_general3A_41 : vector<100x128xf32> to vector<1x100x128xf32>
    %mul3A_110 = vector.broadcast %broadcast_in_dim3A_108 : vector<128x100x1xf32> to vector<128x100x128xf32>
    %mul3A_111 = vector.broadcast %broadcast_in_dim3A_109 : vector<1x100x128xf32> to vector<128x100x128xf32>
    %mul3A_112 = arith.mulf %mul3A_110, %mul3A_111 : vector<128x100x128xf32>
    %broadcast_in_dim3A_113 = vector.shape_cast %dot_general3A_49 : vector<1x128xf32> to vector<1x1x128xf32>
    %add3A_114 = vector.broadcast %broadcast_in_dim3A_113 : vector<1x1x128xf32> to vector<128x100x128xf32>
    %add3A_115 = arith.addf %mul3A_112, %add3A_114 : vector<128x100x128xf32>
    %swap3A_116 = arith.constant 0 : index
    %swap3A_117 = arith.constant 0 : index
    %swap3A_118 = arith.constant 0 : index
    %swap3A_119 = vector.load %arg11[%swap3A_116, %swap3A_117, %swap3A_118] : memref<128x100x128xf32, #tpu.memory_space<vmem>>, vector<128x100x128xf32>
    tpu.vector_store %arg11[%swap3A_116, %swap3A_117, %swap3A_118], %add3A_115 {strides = array<i32>} : memref<128x100x128xf32, #tpu.memory_space<vmem>>, vector<128x100x128xf32>,
    %dma_start3A_120 = arith.constant 384 : i32
    %dma_start3A_121 = arith.constant 0 : i32
    %dma_start3A_122 = arith.constant 0 : i32
    %dma_start3A_123 = tpu.memref_slice %arg7[%dma_start3A_120, %dma_start3A_121, %dma_start3A_122] : memref<4096x100x128xf32, #tpu.memory_space<any>> -> memref<128x100x128xf32, #tpu.memory_space<any>>
    tpu.enqueue_dma source(%arg11 : memref<128x100x128xf32, #tpu.memory_space<vmem>>) target(%dma_start3A_123 : memref<128x100x128xf32, #tpu.memory_space<any>>) target_semaphore(%arg15 : memref<!tpu.dma_semaphore, #tpu.memory_space<semaphore_mem>>)
    %dma_wait3A = arith.constant 0 : i32
    %dma_wait3A_124 = arith.constant 0 : i32
    %dma_wait3A_125 = arith.constant 0 : i32
    %dma_wait3A_126 = tpu.memref_slice %arg7[%dma_wait3A, %dma_wait3A_124, %dma_wait3A_125] : memref<4096x100x128xf32, #tpu.memory_space<any>> -> memref<128x100x128xf32, #tpu.memory_space<any>>
    tpu.wait_dma2 semaphore(%arg12 : memref<!tpu.dma_semaphore, #tpu.memory_space<semaphore_mem>>) src(%arg8 : memref<128x100x128xf32, #tpu.memory_space<vmem>>) dst(%dma_wait3A_126 : memref<128x100x128xf32, #tpu.memory_space<any>>)
    %get3A_127 = arith.constant 512 : index
    %get3A_128 = arith.constant 0 : index
    %get3A_129 = vector.load %arg6[%get3A_127, %get3A_128] : memref<4096x100xf32, #tpu.memory_space<vmem>>, vector<128x100xf32>
    %broadcast_in_dim3A_130 = vector.shape_cast %get3A_129 : vector<128x100xf32> to vector<128x100x1xf32>
    %broadcast_in_dim3A_131 = vector.shape_cast %dot_general3A_41 : vector<100x128xf32> to vector<1x100x128xf32>
    %mul3A_132 = vector.broadcast %broadcast_in_dim3A_130 : vector<128x100x1xf32> to vector<128x100x128xf32>
    %mul3A_133 = vector.broadcast %broadcast_in_dim3A_131 : vector<1x100x128xf32> to vector<128x100x128xf32>
    %mul3A_134 = arith.mulf %mul3A_132, %mul3A_133 : vector<128x100x128xf32>
    %broadcast_in_dim3A_135 = vector.shape_cast %dot_general3A_49 : vector<1x128xf32> to vector<1x1x128xf32>
    %add3A_136 = vector.broadcast %broadcast_in_dim3A_135 : vector<1x1x128xf32> to vector<128x100x128xf32>
    %add3A_137 = arith.addf %mul3A_134, %add3A_136 : vector<128x100x128xf32>
    %swap3A_138 = arith.constant 0 : index
    %swap3A_139 = arith.constant 0 : index
    %swap3A_140 = arith.constant 0 : index
    %swap3A_141 = vector.load %arg8[%swap3A_138, %swap3A_139, %swap3A_140] : memref<128x100x128xf32, #tpu.memory_space<vmem>>, vector<128x100x128xf32>
    tpu.vector_store %arg8[%swap3A_138, %swap3A_139, %swap3A_140], %add3A_137 {strides = array<i32>} : memref<128x100x128xf32, #tpu.memory_space<vmem>>, vector<128x100x128xf32>,
    %dma_start3A_142 = arith.constant 512 : i32
    %dma_start3A_143 = arith.constant 0 : i32
    %dma_start3A_144 = arith.constant 0 : i32
    %dma_start3A_145 = tpu.memref_slice %arg7[%dma_start3A_142, %dma_start3A_143, %dma_start3A_144] : memref<4096x100x128xf32, #tpu.memory_space<any>> -> memref<128x100x128xf32, #tpu.memory_space<any>>
    tpu.enqueue_dma source(%arg8 : memref<128x100x128xf32, #tpu.memory_space<vmem>>) target(%dma_start3A_145 : memref<128x100x128xf32, #tpu.memory_space<any>>) target_semaphore(%arg12 : memref<!tpu.dma_semaphore, #tpu.memory_space<semaphore_mem>>)
    %dma_wait3A_146 = arith.constant 128 : i32
    %dma_wait3A_147 = arith.constant 0 : i32
    %dma_wait3A_148 = arith.constant 0 : i32
    %dma_wait3A_149 = tpu.memref_slice %arg7[%dma_wait3A_146, %dma_wait3A_147, %dma_wait3A_148] : memref<4096x100x128xf32, #tpu.memory_space<any>> -> memref<128x100x128xf32, #tpu.memory_space<any>>
    tpu.wait_dma2 semaphore(%arg13 : memref<!tpu.dma_semaphore, #tpu.memory_space<semaphore_mem>>) src(%arg9 : memref<128x100x128xf32, #tpu.memory_space<vmem>>) dst(%dma_wait3A_149 : memref<128x100x128xf32, #tpu.memory_space<any>>)
    %get3A_150 = arith.constant 640 : index
    %get3A_151 = arith.constant 0 : index
    %get3A_152 = vector.load %arg6[%get3A_150, %get3A_151] : memref<4096x100xf32, #tpu.memory_space<vmem>>, vector<128x100xf32>
    %broadcast_in_dim3A_153 = vector.shape_cast %get3A_152 : vector<128x100xf32> to vector<128x100x1xf32>
    %broadcast_in_dim3A_154 = vector.shape_cast %dot_general3A_41 : vector<100x128xf32> to vector<1x100x128xf32>
    %mul3A_155 = vector.broadcast %broadcast_in_dim3A_153 : vector<128x100x1xf32> to vector<128x100x128xf32>
    %mul3A_156 = vector.broadcast %broadcast_in_dim3A_154 : vector<1x100x128xf32> to vector<128x100x128xf32>
    %mul3A_157 = arith.mulf %mul3A_155, %mul3A_156 : vector<128x100x128xf32>
    %broadcast_in_dim3A_158 = vector.shape_cast %dot_general3A_49 : vector<1x128xf32> to vector<1x1x128xf32>
    %add3A_159 = vector.broadcast %broadcast_in_dim3A_158 : vector<1x1x128xf32> to vector<128x100x128xf32>
    %add3A_160 = arith.addf %mul3A_157, %add3A_159 : vector<128x100x128xf32>
    %swap3A_161 = arith.constant 0 : index
    %swap3A_162 = arith.constant 0 : index
    %swap3A_163 = arith.constant 0 : index
    %swap3A_164 = vector.load %arg9[%swap3A_161, %swap3A_162, %swap3A_163] : memref<128x100x128xf32, #tpu.memory_space<vmem>>, vector<128x100x128xf32>
    tpu.vector_store %arg9[%swap3A_161, %swap3A_162, %swap3A_163], %add3A_160 {strides = array<i32>} : memref<128x100x128xf32, #tpu.memory_space<vmem>>, vector<128x100x128xf32>,
    %dma_start3A_165 = arith.constant 640 : i32
    %dma_start3A_166 = arith.constant 0 : i32
    %dma_start3A_167 = arith.constant 0 : i32
    %dma_start3A_168 = tpu.memref_slice %arg7[%dma_start3A_165, %dma_start3A_166, %dma_start3A_167] : memref<4096x100x128xf32, #tpu.memory_space<any>> -> memref<128x100x128xf32, #tpu.memory_space<any>>
    tpu.enqueue_dma source(%arg9 : memref<128x100x128xf32, #tpu.memory_space<vmem>>) target(%dma_start3A_168 : memref<128x100x128xf32, #tpu.memory_space<any>>) target_semaphore(%arg13 : memref<!tpu.dma_semaphore, #tpu.memory_space<semaphore_mem>>)
    %dma_wait3A_169 = arith.constant 256 : i32
    %dma_wait3A_170 = arith.constant 0 : i32
    %dma_wait3A_171 = arith.constant 0 : i32
    %dma_wait3A_172 = tpu.memref_slice %arg7[%dma_wait3A_169, %dma_wait3A_170, %dma_wait3A_171] : memref<4096x100x128xf32, #tpu.memory_space<any>> -> memref<128x100x128xf32, #tpu.memory_space<any>>
    tpu.wait_dma2 semaphore(%arg14 : memref<!tpu.dma_semaphore, #tpu.memory_space<semaphore_mem>>) src(%arg10 : memref<128x100x128xf32, #tpu.memory_space<vmem>>) dst(%dma_wait3A_172 : memref<128x100x128xf32, #tpu.memory_space<any>>)
    %get3A_173 = arith.constant 768 : index
    %get3A_174 = arith.constant 0 : index
    %get3A_175 = vector.load %arg6[%get3A_173, %get3A_174] : memref<4096x100xf32, #tpu.memory_space<vmem>>, vector<128x100xf32>
    %broadcast_in_dim3A_176 = vector.shape_cast %get3A_175 : vector<128x100xf32> to vector<128x100x1xf32>
    %broadcast_in_dim3A_177 = vector.shape_cast %dot_general3A_41 : vector<100x128xf32> to vector<1x100x128xf32>
    %mul3A_178 = vector.broadcast %broadcast_in_dim3A_176 : vector<128x100x1xf32> to vector<128x100x128xf32>
    %mul3A_179 = vector.broadcast %broadcast_in_dim3A_177 : vector<1x100x128xf32> to vector<128x100x128xf32>
    %mul3A_180 = arith.mulf %mul3A_178, %mul3A_179 : vector<128x100x128xf32>
    %broadcast_in_dim3A_181 = vector.shape_cast %dot_general3A_49 : vector<1x128xf32> to vector<1x1x128xf32>
    %add3A_182 = vector.broadcast %broadcast_in_dim3A_181 : vector<1x1x128xf32> to vector<128x100x128xf32>
    %add3A_183 = arith.addf %mul3A_180, %add3A_182 : vector<128x100x128xf32>
    %swap3A_184 = arith.constant 0 : index
    %swap3A_185 = arith.constant 0 : index
    %swap3A_186 = arith.constant 0 : index
    %swap3A_187 = vector.load %arg10[%swap3A_184, %swap3A_185, %swap3A_186] : memref<128x100x128xf32, #tpu.memory_space<vmem>>, vector<128x100x128xf32>
    tpu.vector_store %arg10[%swap3A_184, %swap3A_185, %swap3A_186], %add3A_183 {strides = array<i32>} : memref<128x100x128xf32, #tpu.memory_space<vmem>>, vector<128x100x128xf32>,
    %dma_start3A_188 = arith.constant 768 : i32
    %dma_start3A_189 = arith.constant 0 : i32
    %dma_start3A_190 = arith.constant 0 : i32
    %dma_start3A_191 = tpu.memref_slice %arg7[%dma_start3A_188, %dma_start3A_189, %dma_start3A_190] : memref<4096x100x128xf32, #tpu.memory_space<any>> -> memref<128x100x128xf32, #tpu.memory_space<any>>
    tpu.enqueue_dma source(%arg10 : memref<128x100x128xf32, #tpu.memory_space<vmem>>) target(%dma_start3A_191 : memref<128x100x128xf32, #tpu.memory_space<any>>) target_semaphore(%arg14 : memref<!tpu.dma_semaphore, #tpu.memory_space<semaphore_mem>>)
    %dma_wait3A_192 = arith.constant 384 : i32
    %dma_wait3A_193 = arith.constant 0 : i32
    %dma_wait3A_194 = arith.constant 0 : i32
    %dma_wait3A_195 = tpu.memref_slice %arg7[%dma_wait3A_192, %dma_wait3A_193, %dma_wait3A_194] : memref<4096x100x128xf32, #tpu.memory_space<any>> -> memref<128x100x128xf32, #tpu.memory_space<any>>
    tpu.wait_dma2 semaphore(%arg15 : memref<!tpu.dma_semaphore, #tpu.memory_space<semaphore_mem>>) src(%arg11 : memref<128x100x128xf32, #tpu.memory_space<vmem>>) dst(%dma_wait3A_195 : memref<128x100x128xf32, #tpu.memory_space<any>>)
    %get3A_196 = arith.constant 896 : index
    %get3A_197 = arith.constant 0 : index
    %get3A_198 = vector.load %arg6[%get3A_196, %get3A_197] : memref<4096x100xf32, #tpu.memory_space<vmem>>, vector<128x100xf32>
    %broadcast_in_dim3A_199 = vector.shape_cast %get3A_198 : vector<128x100xf32> to vector<128x100x1xf32>
    %broadcast_in_dim3A_200 = vector.shape_cast %dot_general3A_41 : vector<100x128xf32> to vector<1x100x128xf32>
    %mul3A_201 = vector.broadcast %broadcast_in_dim3A_199 : vector<128x100x1xf32> to vector<128x100x128xf32>
    %mul3A_202 = vector.broadcast %broadcast_in_dim3A_200 : vector<1x100x128xf32> to vector<128x100x128xf32>
    %mul3A_203 = arith.mulf %mul3A_201, %mul3A_202 : vector<128x100x128xf32>
    %broadcast_in_dim3A_204 = vector.shape_cast %dot_general3A_49 : vector<1x128xf32> to vector<1x1x128xf32>
    %add3A_205 = vector.broadcast %broadcast_in_dim3A_204 : vector<1x1x128xf32> to vector<128x100x128xf32>
    %add3A_206 = arith.addf %mul3A_203, %add3A_205 : vector<128x100x128xf32>
    %swap3A_207 = arith.constant 0 : index
    %swap3A_208 = arith.constant 0 : index
    %swap3A_209 = arith.constant 0 : index
    %swap3A_210 = vector.load %arg11[%swap3A_207, %swap3A_208, %swap3A_209] : memref<128x100x128xf32, #tpu.memory_space<vmem>>, vector<128x100x128xf32>
    tpu.vector_store %arg11[%swap3A_207, %swap3A_208, %swap3A_209], %add3A_206 {strides = array<i32>} : memref<128x100x128xf32, #tpu.memory_space<vmem>>, vector<128x100x128xf32>,
    %dma_start3A_211 = arith.constant 896 : i32
    %dma_start3A_212 = arith.constant 0 : i32
    %dma_start3A_213 = arith.constant 0 : i32
    %dma_start3A_214 = tpu.memref_slice %arg7[%dma_start3A_211, %dma_start3A_212, %dma_start3A_213] : memref<4096x100x128xf32, #tpu.memory_space<any>> -> memref<128x100x128xf32, #tpu.memory_space<any>>
    tpu.enqueue_dma source(%arg11 : memref<128x100x128xf32, #tpu.memory_space<vmem>>) target(%dma_start3A_214 : memref<128x100x128xf32, #tpu.memory_space<any>>) target_semaphore(%arg15 : memref<!tpu.dma_semaphore, #tpu.memory_space<semaphore_mem>>)
    %dma_wait3A_215 = arith.constant 512 : i32
    %dma_wait3A_216 = arith.constant 0 : i32
    %dma_wait3A_217 = arith.constant 0 : i32
    %dma_wait3A_218 = tpu.memref_slice %arg7[%dma_wait3A_215, %dma_wait3A_216, %dma_wait3A_217] : memref<4096x100x128xf32, #tpu.memory_space<any>> -> memref<128x100x128xf32, #tpu.memory_space<any>>
    tpu.wait_dma2 semaphore(%arg12 : memref<!tpu.dma_semaphore, #tpu.memory_space<semaphore_mem>>) src(%arg8 : memref<128x100x128xf32, #tpu.memory_space<vmem>>) dst(%dma_wait3A_218 : memref<128x100x128xf32, #tpu.memory_space<any>>)
    %get3A_219 = arith.constant 1024 : index
    %get3A_220 = arith.constant 0 : index
    %get3A_221 = vector.load %arg6[%get3A_219, %get3A_220] : memref<4096x100xf32, #tpu.memory_space<vmem>>, vector<128x100xf32>
    %broadcast_in_dim3A_222 = vector.shape_cast %get3A_221 : vector<128x100xf32> to vector<128x100x1xf32>
    %broadcast_in_dim3A_223 = vector.shape_cast %dot_general3A_41 : vector<100x128xf32> to vector<1x100x128xf32>
    %mul3A_224 = vector.broadcast %broadcast_in_dim3A_222 : vector<128x100x1xf32> to vector<128x100x128xf32>
    %mul3A_225 = vector.broadcast %broadcast_in_dim3A_223 : vector<1x100x128xf32> to vector<128x100x128xf32>
    %mul3A_226 = arith.mulf %mul3A_224, %mul3A_225 : vector<128x100x128xf32>
    %broadcast_in_dim3A_227 = vector.shape_cast %dot_general3A_49 : vector<1x128xf32> to vector<1x1x128xf32>
    %add3A_228 = vector.broadcast %broadcast_in_dim3A_227 : vector<1x1x128xf32> to vector<128x100x128xf32>
    %add3A_229 = arith.addf %mul3A_226, %add3A_228 : vector<128x100x128xf32>
    %swap3A_230 = arith.constant 0 : index
    %swap3A_231 = arith.constant 0 : index
    %swap3A_232 = arith.constant 0 : index
    %swap3A_233 = vector.load %arg8[%swap3A_230, %swap3A_231, %swap3A_232] : memref<128x100x128xf32, #tpu.memory_space<vmem>>, vector<128x100x128xf32>
    tpu.vector_store %arg8[%swap3A_230, %swap3A_231, %swap3A_232], %add3A_229 {strides = array<i32>} : memref<128x100x128xf32, #tpu.memory_space<vmem>>, vector<128x100x128xf32>,
    %dma_start3A_234 = arith.constant 1024 : i32
    %dma_start3A_235 = arith.constant 0 : i32
    %dma_start3A_236 = arith.constant 0 : i32
    %dma_start3A_237 = tpu.memref_slice %arg7[%dma_start3A_234, %dma_start3A_235, %dma_start3A_236] : memref<4096x100x128xf32, #tpu.memory_space<any>> -> memref<128x100x128xf32, #tpu.memory_space<any>>
    tpu.enqueue_dma source(%arg8 : memref<128x100x128xf32, #tpu.memory_space<vmem>>) target(%dma_start3A_237 : memref<128x100x128xf32, #tpu.memory_space<any>>) target_semaphore(%arg12 : memref<!tpu.dma_semaphore, #tpu.memory_space<semaphore_mem>>)
    %dma_wait3A_238 = arith.constant 640 : i32
    %dma_wait3A_239 = arith.constant 0 : i32
    %dma_wait3A_240 = arith.constant 0 : i32
    %dma_wait3A_241 = tpu.memref_slice %arg7[%dma_wait3A_238, %dma_wait3A_239, %dma_wait3A_240] : memref<4096x100x128xf32, #tpu.memory_space<any>> -> memref<128x100x128xf32, #tpu.memory_space<any>>
    tpu.wait_dma2 semaphore(%arg13 : memref<!tpu.dma_semaphore, #tpu.memory_space<semaphore_mem>>) src(%arg9 : memref<128x100x128xf32, #tpu.memory_space<vmem>>) dst(%dma_wait3A_241 : memref<128x100x128xf32, #tpu.memory_space<any>>)
    %get3A_242 = arith.constant 1152 : index
    %get3A_243 = arith.constant 0 : index
    %get3A_244 = vector.load %arg6[%get3A_242, %get3A_243] : memref<4096x100xf32, #tpu.memory_space<vmem>>, vector<128x100xf32>
    %broadcast_in_dim3A_245 = vector.shape_cast %get3A_244 : vector<128x100xf32> to vector<128x100x1xf32>
    %broadcast_in_dim3A_246 = vector.shape_cast %dot_general3A_41 : vector<100x128xf32> to vector<1x100x128xf32>
    %mul3A_247 = vector.broadcast %broadcast_in_dim3A_245 : vector<128x100x1xf32> to vector<128x100x128xf32>
    %mul3A_248 = vector.broadcast %broadcast_in_dim3A_246 : vector<1x100x128xf32> to vector<128x100x128xf32>
    %mul3A_249 = arith.mulf %mul3A_247, %mul3A_248 : vector<128x100x128xf32>
    %broadcast_in_dim3A_250 = vector.shape_cast %dot_general3A_49 : vector<1x128xf32> to vector<1x1x128xf32>
    %add3A_251 = vector.broadcast %broadcast_in_dim3A_250 : vector<1x1x128xf32> to vector<128x100x128xf32>
    %add3A_252 = arith.addf %mul3A_249, %add3A_251 : vector<128x100x128xf32>
    %swap3A_253 = arith.constant 0 : index
    %swap3A_254 = arith.constant 0 : index
    %swap3A_255 = arith.constant 0 : index
    %swap3A_256 = vector.load %arg9[%swap3A_253, %swap3A_254, %swap3A_255] : memref<128x100x128xf32, #tpu.memory_space<vmem>>, vector<128x100x128xf32>
    tpu.vector_store %arg9[%swap3A_253, %swap3A_254, %swap3A_255], %add3A_252 {strides = array<i32>} : memref<128x100x128xf32, #tpu.memory_space<vmem>>, vector<128x100x128xf32>,
    %dma_start3A_257 = arith.constant 1152 : i32
    %dma_start3A_258 = arith.constant 0 : i32
    %dma_start3A_259 = arith.constant 0 : i32
    %dma_start3A_260 = tpu.memref_slice %arg7[%dma_start3A_257, %dma_start3A_258, %dma_start3A_259] : memref<4096x100x128xf32, #tpu.memory_space<any>> -> memref<128x100x128xf32, #tpu.memory_space<any>>
    tpu.enqueue_dma source(%arg9 : memref<128x100x128xf32, #tpu.memory_space<vmem>>) target(%dma_start3A_260 : memref<128x100x128xf32, #tpu.memory_space<any>>) target_semaphore(%arg13 : memref<!tpu.dma_semaphore, #tpu.memory_space<semaphore_mem>>)
    %dma_wait3A_261 = arith.constant 768 : i32
    %dma_wait3A_262 = arith.constant 0 : i32
    %dma_wait3A_263 = arith.constant 0 : i32
    %dma_wait3A_264 = tpu.memref_slice %arg7[%dma_wait3A_261, %dma_wait3A_262, %dma_wait3A_263] : memref<4096x100x128xf32, #tpu.memory_space<any>> -> memref<128x100x128xf32, #tpu.memory_space<any>>
    tpu.wait_dma2 semaphore(%arg14 : memref<!tpu.dma_semaphore, #tpu.memory_space<semaphore_mem>>) src(%arg10 : memref<128x100x128xf32, #tpu.memory_space<vmem>>) dst(%dma_wait3A_264 : memref<128x100x128xf32, #tpu.memory_space<any>>)
    %get3A_265 = arith.constant 1280 : index
    %get3A_266 = arith.constant 0 : index
    %get3A_267 = vector.load %arg6[%get3A_265, %get3A_266] : memref<4096x100xf32, #tpu.memory_space<vmem>>, vector<128x100xf32>
    %broadcast_in_dim3A_268 = vector.shape_cast %get3A_267 : vector<128x100xf32> to vector<128x100x1xf32>
    %broadcast_in_dim3A_269 = vector.shape_cast %dot_general3A_41 : vector<100x128xf32> to vector<1x100x128xf32>
    %mul3A_270 = vector.broadcast %broadcast_in_dim3A_268 : vector<128x100x1xf32> to vector<128x100x128xf32>
    %mul3A_271 = vector.broadcast %broadcast_in_dim3A_269 : vector<1x100x128xf32> to vector<128x100x128xf32>
    %mul3A_272 = arith.mulf %mul3A_270, %mul3A_271 : vector<128x100x128xf32>
    %broadcast_in_dim3A_273 = vector.shape_cast %dot_general3A_49 : vector<1x128xf32> to vector<1x1x128xf32>
    %add3A_274 = vector.broadcast %broadcast_in_dim3A_273 : vector<1x1x128xf32> to vector<128x100x128xf32>
    %add3A_275 = arith.addf %mul3A_272, %add3A_274 : vector<128x100x128xf32>
    %swap3A_276 = arith.constant 0 : index
    %swap3A_277 = arith.constant 0 : index
    %swap3A_278 = arith.constant 0 : index
    %swap3A_279 = vector.load %arg10[%swap3A_276, %swap3A_277, %swap3A_278] : memref<128x100x128xf32, #tpu.memory_space<vmem>>, vector<128x100x128xf32>
    tpu.vector_store %arg10[%swap3A_276, %swap3A_277, %swap3A_278], %add3A_275 {strides = array<i32>} : memref<128x100x128xf32, #tpu.memory_space<vmem>>, vector<128x100x128xf32>,
    %dma_start3A_280 = arith.constant 1280 : i32
    %dma_start3A_281 = arith.constant 0 : i32
    %dma_start3A_282 = arith.constant 0 : i32
    %dma_start3A_283 = tpu.memref_slice %arg7[%dma_start3A_280, %dma_start3A_281, %dma_start3A_282] : memref<4096x100x128xf32, #tpu.memory_space<any>> -> memref<128x100x128xf32, #tpu.memory_space<any>>
    tpu.enqueue_dma source(%arg10 : memref<128x100x128xf32, #tpu.memory_space<vmem>>) target(%dma_start3A_283 : memref<128x100x128xf32, #tpu.memory_space<any>>) target_semaphore(%arg14 : memref<!tpu.dma_semaphore, #tpu.memory_space<semaphore_mem>>)
    %dma_wait3A_284 = arith.constant 896 : i32
    %dma_wait3A_285 = arith.constant 0 : i32
    %dma_wait3A_286 = arith.constant 0 : i32
    %dma_wait3A_287 = tpu.memref_slice %arg7[%dma_wait3A_284, %dma_wait3A_285, %dma_wait3A_286] : memref<4096x100x128xf32, #tpu.memory_space<any>> -> memref<128x100x128xf32, #tpu.memory_space<any>>
    tpu.wait_dma2 semaphore(%arg15 : memref<!tpu.dma_semaphore, #tpu.memory_space<semaphore_mem>>) src(%arg11 : memref<128x100x128xf32, #tpu.memory_space<vmem>>) dst(%dma_wait3A_287 : memref<128x100x128xf32, #tpu.memory_space<any>>)
    %get3A_288 = arith.constant 1408 : index
    %get3A_289 = arith.constant 0 : index
    %get3A_290 = vector.load %arg6[%get3A_288, %get3A_289] : memref<4096x100xf32, #tpu.memory_space<vmem>>, vector<128x100xf32>
    %broadcast_in_dim3A_291 = vector.shape_cast %get3A_290 : vector<128x100xf32> to vector<128x100x1xf32>
    %broadcast_in_dim3A_292 = vector.shape_cast %dot_general3A_41 : vector<100x128xf32> to vector<1x100x128xf32>
    %mul3A_293 = vector.broadcast %broadcast_in_dim3A_291 : vector<128x100x1xf32> to vector<128x100x128xf32>
    %mul3A_294 = vector.broadcast %broadcast_in_dim3A_292 : vector<1x100x128xf32> to vector<128x100x128xf32>
    %mul3A_295 = arith.mulf %mul3A_293, %mul3A_294 : vector<128x100x128xf32>
    %broadcast_in_dim3A_296 = vector.shape_cast %dot_general3A_49 : vector<1x128xf32> to vector<1x1x128xf32>
    %add3A_297 = vector.broadcast %broadcast_in_dim3A_296 : vector<1x1x128xf32> to vector<128x100x128xf32>
    %add3A_298 = arith.addf %mul3A_295, %add3A_297 : vector<128x100x128xf32>
    %swap3A_299 = arith.constant 0 : index
    %swap3A_300 = arith.constant 0 : index
    %swap3A_301 = arith.constant 0 : index
    %swap3A_302 = vector.load %arg11[%swap3A_299, %swap3A_300, %swap3A_301] : memref<128x100x128xf32, #tpu.memory_space<vmem>>, vector<128x100x128xf32>
    tpu.vector_store %arg11[%swap3A_299, %swap3A_300, %swap3A_301], %add3A_298 {strides = array<i32>} : memref<128x100x128xf32, #tpu.memory_space<vmem>>, vector<128x100x128xf32>,
    %dma_start3A_303 = arith.constant 1408 : i32
    %dma_start3A_304 = arith.constant 0 : i32
    %dma_start3A_305 = arith.constant 0 : i32
    %dma_start3A_306 = tpu.memref_slice %arg7[%dma_start3A_303, %dma_start3A_304, %dma_start3A_305] : memref<4096x100x128xf32, #tpu.memory_space<any>> -> memref<128x100x128xf32, #tpu.memory_space<any>>
    tpu.enqueue_dma source(%arg11 : memref<128x100x128xf32, #tpu.memory_space<vmem>>) target(%dma_start3A_306 : memref<128x100x128xf32, #tpu.memory_space<any>>) target_semaphore(%arg15 : memref<!tpu.dma_semaphore, #tpu.memory_space<semaphore_mem>>)
    %dma_wait3A_307 = arith.constant 1024 : i32
    %dma_wait3A_308 = arith.constant 0 : i32
    %dma_wait3A_309 = arith.constant 0 : i32
    %dma_wait3A_310 = tpu.memref_slice %arg7[%dma_wait3A_307, %dma_wait3A_308, %dma_wait3A_309] : memref<4096x100x128xf32, #tpu.memory_space<any>> -> memref<128x100x128xf32, #tpu.memory_space<any>>
    tpu.wait_dma2 semaphore(%arg12 : memref<!tpu.dma_semaphore, #tpu.memory_space<semaphore_mem>>) src(%arg8 : memref<128x100x128xf32, #tpu.memory_space<vmem>>) dst(%dma_wait3A_310 : memref<128x100x128xf32, #tpu.memory_space<any>>)
    %get3A_311 = arith.constant 1536 : index
    %get3A_312 = arith.constant 0 : index
    %get3A_313 = vector.load %arg6[%get3A_311, %get3A_312] : memref<4096x100xf32, #tpu.memory_space<vmem>>, vector<128x100xf32>
    %broadcast_in_dim3A_314 = vector.shape_cast %get3A_313 : vector<128x100xf32> to vector<128x100x1xf32>
    %broadcast_in_dim3A_315 = vector.shape_cast %dot_general3A_41 : vector<100x128xf32> to vector<1x100x128xf32>
    %mul3A_316 = vector.broadcast %broadcast_in_dim3A_314 : vector<128x100x1xf32> to vector<128x100x128xf32>
    %mul3A_317 = vector.broadcast %broadcast_in_dim3A_315 : vector<1x100x128xf32> to vector<128x100x128xf32>
    %mul3A_318 = arith.mulf %mul3A_316, %mul3A_317 : vector<128x100x128xf32>
    %broadcast_in_dim3A_319 = vector.shape_cast %dot_general3A_49 : vector<1x128xf32> to vector<1x1x128xf32>
    %add3A_320 = vector.broadcast %broadcast_in_dim3A_319 : vector<1x1x128xf32> to vector<128x100x128xf32>
    %add3A_321 = arith.addf %mul3A_318, %add3A_320 : vector<128x100x128xf32>
    %swap3A_322 = arith.constant 0 : index
    %swap3A_323 = arith.constant 0 : index
    %swap3A_324 = arith.constant 0 : index
    %swap3A_325 = vector.load %arg8[%swap3A_322, %swap3A_323, %swap3A_324] : memref<128x100x128xf32, #tpu.memory_space<vmem>>, vector<128x100x128xf32>
    tpu.vector_store %arg8[%swap3A_322, %swap3A_323, %swap3A_324], %add3A_321 {strides = array<i32>} : memref<128x100x128xf32, #tpu.memory_space<vmem>>, vector<128x100x128xf32>,
    %dma_start3A_326 = arith.constant 1536 : i32
    %dma_start3A_327 = arith.constant 0 : i32
    %dma_start3A_328 = arith.constant 0 : i32
    %dma_start3A_329 = tpu.memref_slice %arg7[%dma_start3A_326, %dma_start3A_327, %dma_start3A_328] : memref<4096x100x128xf32, #tpu.memory_space<any>> -> memref<128x100x128xf32, #tpu.memory_space<any>>
    tpu.enqueue_dma source(%arg8 : memref<128x100x128xf32, #tpu.memory_space<vmem>>) target(%dma_start3A_329 : memref<128x100x128xf32, #tpu.memory_space<any>>) target_semaphore(%arg12 : memref<!tpu.dma_semaphore, #tpu.memory_space<semaphore_mem>>)
    %dma_wait3A_330 = arith.constant 1152 : i32
    %dma_wait3A_331 = arith.constant 0 : i32
    %dma_wait3A_332 = arith.constant 0 : i32
    %dma_wait3A_333 = tpu.memref_slice %arg7[%dma_wait3A_330, %dma_wait3A_331, %dma_wait3A_332] : memref<4096x100x128xf32, #tpu.memory_space<any>> -> memref<128x100x128xf32, #tpu.memory_space<any>>
    tpu.wait_dma2 semaphore(%arg13 : memref<!tpu.dma_semaphore, #tpu.memory_space<semaphore_mem>>) src(%arg9 : memref<128x100x128xf32, #tpu.memory_space<vmem>>) dst(%dma_wait3A_333 : memref<128x100x128xf32, #tpu.memory_space<any>>)
    %get3A_334 = arith.constant 1664 : index
    %get3A_335 = arith.constant 0 : index
    %get3A_336 = vector.load %arg6[%get3A_334, %get3A_335] : memref<4096x100xf32, #tpu.memory_space<vmem>>, vector<128x100xf32>
    %broadcast_in_dim3A_337 = vector.shape_cast %get3A_336 : vector<128x100xf32> to vector<128x100x1xf32>
    %broadcast_in_dim3A_338 = vector.shape_cast %dot_general3A_41 : vector<100x128xf32> to vector<1x100x128xf32>
    %mul3A_339 = vector.broadcast %broadcast_in_dim3A_337 : vector<128x100x1xf32> to vector<128x100x128xf32>
    %mul3A_340 = vector.broadcast %broadcast_in_dim3A_338 : vector<1x100x128xf32> to vector<128x100x128xf32>
    %mul3A_341 = arith.mulf %mul3A_339, %mul3A_340 : vector<128x100x128xf32>
    %broadcast_in_dim3A_342 = vector.shape_cast %dot_general3A_49 : vector<1x128xf32> to vector<1x1x128xf32>
    %add3A_343 = vector.broadcast %broadcast_in_dim3A_342 : vector<1x1x128xf32> to vector<128x100x128xf32>
    %add3A_344 = arith.addf %mul3A_341, %add3A_343 : vector<128x100x128xf32>
    %swap3A_345 = arith.constant 0 : index
    %swap3A_346 = arith.constant 0 : index
    %swap3A_347 = arith.constant 0 : index
    %swap3A_348 = vector.load %arg9[%swap3A_345, %swap3A_346, %swap3A_347] : memref<128x100x128xf32, #tpu.memory_space<vmem>>, vector<128x100x128xf32>
    tpu.vector_store %arg9[%swap3A_345, %swap3A_346, %swap3A_347], %add3A_344 {strides = array<i32>} : memref<128x100x128xf32, #tpu.memory_space<vmem>>, vector<128x100x128xf32>,
    %dma_start3A_349 = arith.constant 1664 : i32
    %dma_start3A_350 = arith.constant 0 : i32
    %dma_start3A_351 = arith.constant 0 : i32
    %dma_start3A_352 = tpu.memref_slice %arg7[%dma_start3A_349, %dma_start3A_350, %dma_start3A_351] : memref<4096x100x128xf32, #tpu.memory_space<any>> -> memref<128x100x128xf32, #tpu.memory_space<any>>
    tpu.enqueue_dma source(%arg9 : memref<128x100x128xf32, #tpu.memory_space<vmem>>) target(%dma_start3A_352 : memref<128x100x128xf32, #tpu.memory_space<any>>) target_semaphore(%arg13 : memref<!tpu.dma_semaphore, #tpu.memory_space<semaphore_mem>>)
    %dma_wait3A_353 = arith.constant 1280 : i32
    %dma_wait3A_354 = arith.constant 0 : i32
    %dma_wait3A_355 = arith.constant 0 : i32
    %dma_wait3A_356 = tpu.memref_slice %arg7[%dma_wait3A_353, %dma_wait3A_354, %dma_wait3A_355] : memref<4096x100x128xf32, #tpu.memory_space<any>> -> memref<128x100x128xf32, #tpu.memory_space<any>>
    tpu.wait_dma2 semaphore(%arg14 : memref<!tpu.dma_semaphore, #tpu.memory_space<semaphore_mem>>) src(%arg10 : memref<128x100x128xf32, #tpu.memory_space<vmem>>) dst(%dma_wait3A_356 : memref<128x100x128xf32, #tpu.memory_space<any>>)
    %get3A_357 = arith.constant 1792 : index
    %get3A_358 = arith.constant 0 : index
    %get3A_359 = vector.load %arg6[%get3A_357, %get3A_358] : memref<4096x100xf32, #tpu.memory_space<vmem>>, vector<128x100xf32>
    %broadcast_in_dim3A_360 = vector.shape_cast %get3A_359 : vector<128x100xf32> to vector<128x100x1xf32>
    %broadcast_in_dim3A_361 = vector.shape_cast %dot_general3A_41 : vector<100x128xf32> to vector<1x100x128xf32>
    %mul3A_362 = vector.broadcast %broadcast_in_dim3A_360 : vector<128x100x1xf32> to vector<128x100x128xf32>
    %mul3A_363 = vector.broadcast %broadcast_in_dim3A_361 : vector<1x100x128xf32> to vector<128x100x128xf32>
    %mul3A_364 = arith.mulf %mul3A_362, %mul3A_363 : vector<128x100x128xf32>
    %broadcast_in_dim3A_365 = vector.shape_cast %dot_general3A_49 : vector<1x128xf32> to vector<1x1x128xf32>
    %add3A_366 = vector.broadcast %broadcast_in_dim3A_365 : vector<1x1x128xf32> to vector<128x100x128xf32>
    %add3A_367 = arith.addf %mul3A_364, %add3A_366 : vector<128x100x128xf32>
    %swap3A_368 = arith.constant 0 : index
    %swap3A_369 = arith.constant 0 : index
    %swap3A_370 = arith.constant 0 : index
    %swap3A_371 = vector.load %arg10[%swap3A_368, %swap3A_369, %swap3A_370] : memref<128x100x128xf32, #tpu.memory_space<vmem>>, vector<128x100x128xf32>
    tpu.vector_store %arg10[%swap3A_368, %swap3A_369, %swap3A_370], %add3A_367 {strides = array<i32>} : memref<128x100x128xf32, #tpu.memory_space<vmem>>, vector<128x100x128xf32>,
    %dma_start3A_372 = arith.constant 1792 : i32
    %dma_start3A_373 = arith.constant 0 : i32
    %dma_start3A_374 = arith.constant 0 : i32
    %dma_start3A_375 = tpu.memref_slice %arg7[%dma_start3A_372, %dma_start3A_373, %dma_start3A_374] : memref<4096x100x128xf32, #tpu.memory_space<any>> -> memref<128x100x128xf32, #tpu.memory_space<any>>
    tpu.enqueue_dma source(%arg10 : memref<128x100x128xf32, #tpu.memory_space<vmem>>) target(%dma_start3A_375 : memref<128x100x128xf32, #tpu.memory_space<any>>) target_semaphore(%arg14 : memref<!tpu.dma_semaphore, #tpu.memory_space<semaphore_mem>>)
    %dma_wait3A_376 = arith.constant 1408 : i32
    %dma_wait3A_377 = arith.constant 0 : i32
    %dma_wait3A_378 = arith.constant 0 : i32
    %dma_wait3A_379 = tpu.memref_slice %arg7[%dma_wait3A_376, %dma_wait3A_377, %dma_wait3A_378] : memref<4096x100x128xf32, #tpu.memory_space<any>> -> memref<128x100x128xf32, #tpu.memory_space<any>>
    tpu.wait_dma2 semaphore(%arg15 : memref<!tpu.dma_semaphore, #tpu.memory_space<semaphore_mem>>) src(%arg11 : memref<128x100x128xf32, #tpu.memory_space<vmem>>) dst(%dma_wait3A_379 : memref<128x100x128xf32, #tpu.memory_space<any>>)
    %get3A_380 = arith.constant 1920 : index
    %get3A_381 = arith.constant 0 : index
    %get3A_382 = vector.load %arg6[%get3A_380, %get3A_381] : memref<4096x100xf32, #tpu.memory_space<vmem>>, vector<128x100xf32>
    %broadcast_in_dim3A_383 = vector.shape_cast %get3A_382 : vector<128x100xf32> to vector<128x100x1xf32>
    %broadcast_in_dim3A_384 = vector.shape_cast %dot_general3A_41 : vector<100x128xf32> to vector<1x100x128xf32>
    %mul3A_385 = vector.broadcast %broadcast_in_dim3A_383 : vector<128x100x1xf32> to vector<128x100x128xf32>
    %mul3A_386 = vector.broadcast %broadcast_in_dim3A_384 : vector<1x100x128xf32> to vector<128x100x128xf32>
    %mul3A_387 = arith.mulf %mul3A_385, %mul3A_386 : vector<128x100x128xf32>
    %broadcast_in_dim3A_388 = vector.shape_cast %dot_general3A_49 : vector<1x128xf32> to vector<1x1x128xf32>
    %add3A_389 = vector.broadcast %broadcast_in_dim3A_388 : vector<1x1x128xf32> to vector<128x100x128xf32>
    %add3A_390 = arith.addf %mul3A_387, %add3A_389 : vector<128x100x128xf32>
    %swap3A_391 = arith.constant 0 : index
    %swap3A_392 = arith.constant 0 : index
    %swap3A_393 = arith.constant 0 : index
    %swap3A_394 = vector.load %arg11[%swap3A_391, %swap3A_392, %swap3A_393] : memref<128x100x128xf32, #tpu.memory_space<vmem>>, vector<128x100x128xf32>
    tpu.vector_store %arg11[%swap3A_391, %swap3A_392, %swap3A_393], %add3A_390 {strides = array<i32>} : memref<128x100x128xf32, #tpu.memory_space<vmem>>, vector<128x100x128xf32>,
    %dma_start3A_395 = arith.constant 1920 : i32
    %dma_start3A_396 = arith.constant 0 : i32
    %dma_start3A_397 = arith.constant 0 : i32
    %dma_start3A_398 = tpu.memref_slice %arg7[%dma_start3A_395, %dma_start3A_396, %dma_start3A_397] : memref<4096x100x128xf32, #tpu.memory_space<any>> -> memref<128x100x128xf32, #tpu.memory_space<any>>
    tpu.enqueue_dma source(%arg11 : memref<128x100x128xf32, #tpu.memory_space<vmem>>) target(%dma_start3A_398 : memref<128x100x128xf32, #tpu.memory_space<any>>) target_semaphore(%arg15 : memref<!tpu.dma_semaphore, #tpu.memory_space<semaphore_mem>>)
    %dma_wait3A_399 = arith.constant 1536 : i32
    %dma_wait3A_400 = arith.constant 0 : i32
    %dma_wait3A_401 = arith.constant 0 : i32
    %dma_wait3A_402 = tpu.memref_slice %arg7[%dma_wait3A_399, %dma_wait3A_400, %dma_wait3A_401] : memref<4096x100x128xf32, #tpu.memory_space<any>> -> memref<128x100x128xf32, #tpu.memory_space<any>>
    tpu.wait_dma2 semaphore(%arg12 : memref<!tpu.dma_semaphore, #tpu.memory_space<semaphore_mem>>) src(%arg8 : memref<128x100x128xf32, #tpu.memory_space<vmem>>) dst(%dma_wait3A_402 : memref<128x100x128xf32, #tpu.memory_space<any>>)
    %get3A_403 = arith.constant 2048 : index
    %get3A_404 = arith.constant 0 : index
    %get3A_405 = vector.load %arg6[%get3A_403, %get3A_404] : memref<4096x100xf32, #tpu.memory_space<vmem>>, vector<128x100xf32>
    %broadcast_in_dim3A_406 = vector.shape_cast %get3A_405 : vector<128x100xf32> to vector<128x100x1xf32>
    %broadcast_in_dim3A_407 = vector.shape_cast %dot_general3A_41 : vector<100x128xf32> to vector<1x100x128xf32>
    %mul3A_408 = vector.broadcast %broadcast_in_dim3A_406 : vector<128x100x1xf32> to vector<128x100x128xf32>
    %mul3A_409 = vector.broadcast %broadcast_in_dim3A_407 : vector<1x100x128xf32> to vector<128x100x128xf32>
    %mul3A_410 = arith.mulf %mul3A_408, %mul3A_409 : vector<128x100x128xf32>
    %broadcast_in_dim3A_411 = vector.shape_cast %dot_general3A_49 : vector<1x128xf32> to vector<1x1x128xf32>
    %add3A_412 = vector.broadcast %broadcast_in_dim3A_411 : vector<1x1x128xf32> to vector<128x100x128xf32>
    %add3A_413 = arith.addf %mul3A_410, %add3A_412 : vector<128x100x128xf32>
    %swap3A_414 = arith.constant 0 : index
    %swap3A_415 = arith.constant 0 : index
    %swap3A_416 = arith.constant 0 : index
    %swap3A_417 = vector.load %arg8[%swap3A_414, %swap3A_415, %swap3A_416] : memref<128x100x128xf32, #tpu.memory_space<vmem>>, vector<128x100x128xf32>
    tpu.vector_store %arg8[%swap3A_414, %swap3A_415, %swap3A_416], %add3A_413 {strides = array<i32>} : memref<128x100x128xf32, #tpu.memory_space<vmem>>, vector<128x100x128xf32>,
    %dma_start3A_418 = arith.constant 2048 : i32
    %dma_start3A_419 = arith.constant 0 : i32
    %dma_start3A_420 = arith.constant 0 : i32
    %dma_start3A_421 = tpu.memref_slice %arg7[%dma_start3A_418, %dma_start3A_419, %dma_start3A_420] : memref<4096x100x128xf32, #tpu.memory_space<any>> -> memref<128x100x128xf32, #tpu.memory_space<any>>
    tpu.enqueue_dma source(%arg8 : memref<128x100x128xf32, #tpu.memory_space<vmem>>) target(%dma_start3A_421 : memref<128x100x128xf32, #tpu.memory_space<any>>) target_semaphore(%arg12 : memref<!tpu.dma_semaphore, #tpu.memory_space<semaphore_mem>>)
    %dma_wait3A_422 = arith.constant 1664 : i32
    %dma_wait3A_423 = arith.constant 0 : i32
    %dma_wait3A_424 = arith.constant 0 : i32
    %dma_wait3A_425 = tpu.memref_slice %arg7[%dma_wait3A_422, %dma_wait3A_423, %dma_wait3A_424] : memref<4096x100x128xf32, #tpu.memory_space<any>> -> memref<128x100x128xf32, #tpu.memory_space<any>>
    tpu.wait_dma2 semaphore(%arg13 : memref<!tpu.dma_semaphore, #tpu.memory_space<semaphore_mem>>) src(%arg9 : memref<128x100x128xf32, #tpu.memory_space<vmem>>) dst(%dma_wait3A_425 : memref<128x100x128xf32, #tpu.memory_space<any>>)
    %get3A_426 = arith.constant 2176 : index
    %get3A_427 = arith.constant 0 : index
    %get3A_428 = vector.load %arg6[%get3A_426, %get3A_427] : memref<4096x100xf32, #tpu.memory_space<vmem>>, vector<128x100xf32>
    %broadcast_in_dim3A_429 = vector.shape_cast %get3A_428 : vector<128x100xf32> to vector<128x100x1xf32>
    %broadcast_in_dim3A_430 = vector.shape_cast %dot_general3A_41 : vector<100x128xf32> to vector<1x100x128xf32>
    %mul3A_431 = vector.broadcast %broadcast_in_dim3A_429 : vector<128x100x1xf32> to vector<128x100x128xf32>
    %mul3A_432 = vector.broadcast %broadcast_in_dim3A_430 : vector<1x100x128xf32> to vector<128x100x128xf32>
    %mul3A_433 = arith.mulf %mul3A_431, %mul3A_432 : vector<128x100x128xf32>
    %broadcast_in_dim3A_434 = vector.shape_cast %dot_general3A_49 : vector<1x128xf32> to vector<1x1x128xf32>
    %add3A_435 = vector.broadcast %broadcast_in_dim3A_434 : vector<1x1x128xf32> to vector<128x100x128xf32>
    %add3A_436 = arith.addf %mul3A_433, %add3A_435 : vector<128x100x128xf32>
    %swap3A_437 = arith.constant 0 : index
    %swap3A_438 = arith.constant 0 : index
    %swap3A_439 = arith.constant 0 : index
    %swap3A_440 = vector.load %arg9[%swap3A_437, %swap3A_438, %swap3A_439] : memref<128x100x128xf32, #tpu.memory_space<vmem>>, vector<128x100x128xf32>
    tpu.vector_store %arg9[%swap3A_437, %swap3A_438, %swap3A_439], %add3A_436 {strides = array<i32>} : memref<128x100x128xf32, #tpu.memory_space<vmem>>, vector<128x100x128xf32>,
    %dma_start3A_441 = arith.constant 2176 : i32
    %dma_start3A_442 = arith.constant 0 : i32
    %dma_start3A_443 = arith.constant 0 : i32
    %dma_start3A_444 = tpu.memref_slice %arg7[%dma_start3A_441, %dma_start3A_442, %dma_start3A_443] : memref<4096x100x128xf32, #tpu.memory_space<any>> -> memref<128x100x128xf32, #tpu.memory_space<any>>
    tpu.enqueue_dma source(%arg9 : memref<128x100x128xf32, #tpu.memory_space<vmem>>) target(%dma_start3A_444 : memref<128x100x128xf32, #tpu.memory_space<any>>) target_semaphore(%arg13 : memref<!tpu.dma_semaphore, #tpu.memory_space<semaphore_mem>>)
    %dma_wait3A_445 = arith.constant 1792 : i32
    %dma_wait3A_446 = arith.constant 0 : i32
    %dma_wait3A_447 = arith.constant 0 : i32
    %dma_wait3A_448 = tpu.memref_slice %arg7[%dma_wait3A_445, %dma_wait3A_446, %dma_wait3A_447] : memref<4096x100x128xf32, #tpu.memory_space<any>> -> memref<128x100x128xf32, #tpu.memory_space<any>>
    tpu.wait_dma2 semaphore(%arg14 : memref<!tpu.dma_semaphore, #tpu.memory_space<semaphore_mem>>) src(%arg10 : memref<128x100x128xf32, #tpu.memory_space<vmem>>) dst(%dma_wait3A_448 : memref<128x100x128xf32, #tpu.memory_space<any>>)
    %get3A_449 = arith.constant 2304 : index
    %get3A_450 = arith.constant 0 : index
    %get3A_451 = vector.load %arg6[%get3A_449, %get3A_450] : memref<4096x100xf32, #tpu.memory_space<vmem>>, vector<128x100xf32>
    %broadcast_in_dim3A_452 = vector.shape_cast %get3A_451 : vector<128x100xf32> to vector<128x100x1xf32>
    %broadcast_in_dim3A_453 = vector.shape_cast %dot_general3A_41 : vector<100x128xf32> to vector<1x100x128xf32>
    %mul3A_454 = vector.broadcast %broadcast_in_dim3A_452 : vector<128x100x1xf32> to vector<128x100x128xf32>
    %mul3A_455 = vector.broadcast %broadcast_in_dim3A_453 : vector<1x100x128xf32> to vector<128x100x128xf32>
    %mul3A_456 = arith.mulf %mul3A_454, %mul3A_455 : vector<128x100x128xf32>
    %broadcast_in_dim3A_457 = vector.shape_cast %dot_general3A_49 : vector<1x128xf32> to vector<1x1x128xf32>
    %add3A_458 = vector.broadcast %broadcast_in_dim3A_457 : vector<1x1x128xf32> to vector<128x100x128xf32>
    %add3A_459 = arith.addf %mul3A_456, %add3A_458 : vector<128x100x128xf32>
    %swap3A_460 = arith.constant 0 : index
    %swap3A_461 = arith.constant 0 : index
    %swap3A_462 = arith.constant 0 : index
    %swap3A_463 = vector.load %arg10[%swap3A_460, %swap3A_461, %swap3A_462] : memref<128x100x128xf32, #tpu.memory_space<vmem>>, vector<128x100x128xf32>
    tpu.vector_store %arg10[%swap3A_460, %swap3A_461, %swap3A_462], %add3A_459 {strides = array<i32>} : memref<128x100x128xf32, #tpu.memory_space<vmem>>, vector<128x100x128xf32>,
    %dma_start3A_464 = arith.constant 2304 : i32
    %dma_start3A_465 = arith.constant 0 : i32
    %dma_start3A_466 = arith.constant 0 : i32
    %dma_start3A_467 = tpu.memref_slice %arg7[%dma_start3A_464, %dma_start3A_465, %dma_start3A_466] : memref<4096x100x128xf32, #tpu.memory_space<any>> -> memref<128x100x128xf32, #tpu.memory_space<any>>
    tpu.enqueue_dma source(%arg10 : memref<128x100x128xf32, #tpu.memory_space<vmem>>) target(%dma_start3A_467 : memref<128x100x128xf32, #tpu.memory_space<any>>) target_semaphore(%arg14 : memref<!tpu.dma_semaphore, #tpu.memory_space<semaphore_mem>>)
    %dma_wait3A_468 = arith.constant 1920 : i32
    %dma_wait3A_469 = arith.constant 0 : i32
    %dma_wait3A_470 = arith.constant 0 : i32
    %dma_wait3A_471 = tpu.memref_slice %arg7[%dma_wait3A_468, %dma_wait3A_469, %dma_wait3A_470] : memref<4096x100x128xf32, #tpu.memory_space<any>> -> memref<128x100x128xf32, #tpu.memory_space<any>>
    tpu.wait_dma2 semaphore(%arg15 : memref<!tpu.dma_semaphore, #tpu.memory_space<semaphore_mem>>) src(%arg11 : memref<128x100x128xf32, #tpu.memory_space<vmem>>) dst(%dma_wait3A_471 : memref<128x100x128xf32, #tpu.memory_space<any>>)
    %get3A_472 = arith.constant 2432 : index
    %get3A_473 = arith.constant 0 : index
    %get3A_474 = vector.load %arg6[%get3A_472, %get3A_473] : memref<4096x100xf32, #tpu.memory_space<vmem>>, vector<128x100xf32>
    %broadcast_in_dim3A_475 = vector.shape_cast %get3A_474 : vector<128x100xf32> to vector<128x100x1xf32>
    %broadcast_in_dim3A_476 = vector.shape_cast %dot_general3A_41 : vector<100x128xf32> to vector<1x100x128xf32>
    %mul3A_477 = vector.broadcast %broadcast_in_dim3A_475 : vector<128x100x1xf32> to vector<128x100x128xf32>
    %mul3A_478 = vector.broadcast %broadcast_in_dim3A_476 : vector<1x100x128xf32> to vector<128x100x128xf32>
    %mul3A_479 = arith.mulf %mul3A_477, %mul3A_478 : vector<128x100x128xf32>
    %broadcast_in_dim3A_480 = vector.shape_cast %dot_general3A_49 : vector<1x128xf32> to vector<1x1x128xf32>
    %add3A_481 = vector.broadcast %broadcast_in_dim3A_480 : vector<1x1x128xf32> to vector<128x100x128xf32>
    %add3A_482 = arith.addf %mul3A_479, %add3A_481 : vector<128x100x128xf32>
    %swap3A_483 = arith.constant 0 : index
    %swap3A_484 = arith.constant 0 : index
    %swap3A_485 = arith.constant 0 : index
    %swap3A_486 = vector.load %arg11[%swap3A_483, %swap3A_484, %swap3A_485] : memref<128x100x128xf32, #tpu.memory_space<vmem>>, vector<128x100x128xf32>
    tpu.vector_store %arg11[%swap3A_483, %swap3A_484, %swap3A_485], %add3A_482 {strides = array<i32>} : memref<128x100x128xf32, #tpu.memory_space<vmem>>, vector<128x100x128xf32>,
    %dma_start3A_487 = arith.constant 2432 : i32
    %dma_start3A_488 = arith.constant 0 : i32
    %dma_start3A_489 = arith.constant 0 : i32
    %dma_start3A_490 = tpu.memref_slice %arg7[%dma_start3A_487, %dma_start3A_488, %dma_start3A_489] : memref<4096x100x128xf32, #tpu.memory_space<any>> -> memref<128x100x128xf32, #tpu.memory_space<any>>
    tpu.enqueue_dma source(%arg11 : memref<128x100x128xf32, #tpu.memory_space<vmem>>) target(%dma_start3A_490 : memref<128x100x128xf32, #tpu.memory_space<any>>) target_semaphore(%arg15 : memref<!tpu.dma_semaphore, #tpu.memory_space<semaphore_mem>>)
    %dma_wait3A_491 = arith.constant 2048 : i32
    %dma_wait3A_492 = arith.constant 0 : i32
    %dma_wait3A_493 = arith.constant 0 : i32
    %dma_wait3A_494 = tpu.memref_slice %arg7[%dma_wait3A_491, %dma_wait3A_492, %dma_wait3A_493] : memref<4096x100x128xf32, #tpu.memory_space<any>> -> memref<128x100x128xf32, #tpu.memory_space<any>>
    tpu.wait_dma2 semaphore(%arg12 : memref<!tpu.dma_semaphore, #tpu.memory_space<semaphore_mem>>) src(%arg8 : memref<128x100x128xf32, #tpu.memory_space<vmem>>) dst(%dma_wait3A_494 : memref<128x100x128xf32, #tpu.memory_space<any>>)
    %get3A_495 = arith.constant 2560 : index
    %get3A_496 = arith.constant 0 : index
    %get3A_497 = vector.load %arg6[%get3A_495, %get3A_496] : memref<4096x100xf32, #tpu.memory_space<vmem>>, vector<128x100xf32>
    %broadcast_in_dim3A_498 = vector.shape_cast %get3A_497 : vector<128x100xf32> to vector<128x100x1xf32>
    %broadcast_in_dim3A_499 = vector.shape_cast %dot_general3A_41 : vector<100x128xf32> to vector<1x100x128xf32>
    %mul3A_500 = vector.broadcast %broadcast_in_dim3A_498 : vector<128x100x1xf32> to vector<128x100x128xf32>
    %mul3A_501 = vector.broadcast %broadcast_in_dim3A_499 : vector<1x100x128xf32> to vector<128x100x128xf32>
    %mul3A_502 = arith.mulf %mul3A_500, %mul3A_501 : vector<128x100x128xf32>
    %broadcast_in_dim3A_503 = vector.shape_cast %dot_general3A_49 : vector<1x128xf32> to vector<1x1x128xf32>
    %add3A_504 = vector.broadcast %broadcast_in_dim3A_503 : vector<1x1x128xf32> to vector<128x100x128xf32>
    %add3A_505 = arith.addf %mul3A_502, %add3A_504 : vector<128x100x128xf32>
    %swap3A_506 = arith.constant 0 : index
    %swap3A_507 = arith.constant 0 : index
    %swap3A_508 = arith.constant 0 : index
    %swap3A_509 = vector.load %arg8[%swap3A_506, %swap3A_507, %swap3A_508] : memref<128x100x128xf32, #tpu.memory_space<vmem>>, vector<128x100x128xf32>
    tpu.vector_store %arg8[%swap3A_506, %swap3A_507, %swap3A_508], %add3A_505 {strides = array<i32>} : memref<128x100x128xf32, #tpu.memory_space<vmem>>, vector<128x100x128xf32>,
    %dma_start3A_510 = arith.constant 2560 : i32
    %dma_start3A_511 = arith.constant 0 : i32
    %dma_start3A_512 = arith.constant 0 : i32
    %dma_start3A_513 = tpu.memref_slice %arg7[%dma_start3A_510, %dma_start3A_511, %dma_start3A_512] : memref<4096x100x128xf32, #tpu.memory_space<any>> -> memref<128x100x128xf32, #tpu.memory_space<any>>
    tpu.enqueue_dma source(%arg8 : memref<128x100x128xf32, #tpu.memory_space<vmem>>) target(%dma_start3A_513 : memref<128x100x128xf32, #tpu.memory_space<any>>) target_semaphore(%arg12 : memref<!tpu.dma_semaphore, #tpu.memory_space<semaphore_mem>>)
    %dma_wait3A_514 = arith.constant 2176 : i32
    %dma_wait3A_515 = arith.constant 0 : i32
    %dma_wait3A_516 = arith.constant 0 : i32
    %dma_wait3A_517 = tpu.memref_slice %arg7[%dma_wait3A_514, %dma_wait3A_515, %dma_wait3A_516] : memref<4096x100x128xf32, #tpu.memory_space<any>> -> memref<128x100x128xf32, #tpu.memory_space<any>>
    tpu.wait_dma2 semaphore(%arg13 : memref<!tpu.dma_semaphore, #tpu.memory_space<semaphore_mem>>) src(%arg9 : memref<128x100x128xf32, #tpu.memory_space<vmem>>) dst(%dma_wait3A_517 : memref<128x100x128xf32, #tpu.memory_space<any>>)
    %get3A_518 = arith.constant 2688 : index
    %get3A_519 = arith.constant 0 : index
    %get3A_520 = vector.load %arg6[%get3A_518, %get3A_519] : memref<4096x100xf32, #tpu.memory_space<vmem>>, vector<128x100xf32>
    %broadcast_in_dim3A_521 = vector.shape_cast %get3A_520 : vector<128x100xf32> to vector<128x100x1xf32>
    %broadcast_in_dim3A_522 = vector.shape_cast %dot_general3A_41 : vector<100x128xf32> to vector<1x100x128xf32>
    %mul3A_523 = vector.broadcast %broadcast_in_dim3A_521 : vector<128x100x1xf32> to vector<128x100x128xf32>
    %mul3A_524 = vector.broadcast %broadcast_in_dim3A_522 : vector<1x100x128xf32> to vector<128x100x128xf32>
    %mul3A_525 = arith.mulf %mul3A_523, %mul3A_524 : vector<128x100x128xf32>
    %broadcast_in_dim3A_526 = vector.shape_cast %dot_general3A_49 : vector<1x128xf32> to vector<1x1x128xf32>
    %add3A_527 = vector.broadcast %broadcast_in_dim3A_526 : vector<1x1x128xf32> to vector<128x100x128xf32>
    %add3A_528 = arith.addf %mul3A_525, %add3A_527 : vector<128x100x128xf32>
    %swap3A_529 = arith.constant 0 : index
    %swap3A_530 = arith.constant 0 : index
    %swap3A_531 = arith.constant 0 : index
    %swap3A_532 = vector.load %arg9[%swap3A_529, %swap3A_530, %swap3A_531] : memref<128x100x128xf32, #tpu.memory_space<vmem>>, vector<128x100x128xf32>
    tpu.vector_store %arg9[%swap3A_529, %swap3A_530, %swap3A_531], %add3A_528 {strides = array<i32>} : memref<128x100x128xf32, #tpu.memory_space<vmem>>, vector<128x100x128xf32>,
    %dma_start3A_533 = arith.constant 2688 : i32
    %dma_start3A_534 = arith.constant 0 : i32
    %dma_start3A_535 = arith.constant 0 : i32
    %dma_start3A_536 = tpu.memref_slice %arg7[%dma_start3A_533, %dma_start3A_534, %dma_start3A_535] : memref<4096x100x128xf32, #tpu.memory_space<any>> -> memref<128x100x128xf32, #tpu.memory_space<any>>
    tpu.enqueue_dma source(%arg9 : memref<128x100x128xf32, #tpu.memory_space<vmem>>) target(%dma_start3A_536 : memref<128x100x128xf32, #tpu.memory_space<any>>) target_semaphore(%arg13 : memref<!tpu.dma_semaphore, #tpu.memory_space<semaphore_mem>>)
    %dma_wait3A_537 = arith.constant 2304 : i32
    %dma_wait3A_538 = arith.constant 0 : i32
    %dma_wait3A_539 = arith.constant 0 : i32
    %dma_wait3A_540 = tpu.memref_slice %arg7[%dma_wait3A_537, %dma_wait3A_538, %dma_wait3A_539] : memref<4096x100x128xf32, #tpu.memory_space<any>> -> memref<128x100x128xf32, #tpu.memory_space<any>>
    tpu.wait_dma2 semaphore(%arg14 : memref<!tpu.dma_semaphore, #tpu.memory_space<semaphore_mem>>) src(%arg10 : memref<128x100x128xf32, #tpu.memory_space<vmem>>) dst(%dma_wait3A_540 : memref<128x100x128xf32, #tpu.memory_space<any>>)
    %get3A_541 = arith.constant 2816 : index
    %get3A_542 = arith.constant 0 : index
    %get3A_543 = vector.load %arg6[%get3A_541, %get3A_542] : memref<4096x100xf32, #tpu.memory_space<vmem>>, vector<128x100xf32>
    %broadcast_in_dim3A_544 = vector.shape_cast %get3A_543 : vector<128x100xf32> to vector<128x100x1xf32>
    %broadcast_in_dim3A_545 = vector.shape_cast %dot_general3A_41 : vector<100x128xf32> to vector<1x100x128xf32>
    %mul3A_546 = vector.broadcast %broadcast_in_dim3A_544 : vector<128x100x1xf32> to vector<128x100x128xf32>
    %mul3A_547 = vector.broadcast %broadcast_in_dim3A_545 : vector<1x100x128xf32> to vector<128x100x128xf32>
    %mul3A_548 = arith.mulf %mul3A_546, %mul3A_547 : vector<128x100x128xf32>
    %broadcast_in_dim3A_549 = vector.shape_cast %dot_general3A_49 : vector<1x128xf32> to vector<1x1x128xf32>
    %add3A_550 = vector.broadcast %broadcast_in_dim3A_549 : vector<1x1x128xf32> to vector<128x100x128xf32>
    %add3A_551 = arith.addf %mul3A_548, %add3A_550 : vector<128x100x128xf32>
    %swap3A_552 = arith.constant 0 : index
    %swap3A_553 = arith.constant 0 : index
    %swap3A_554 = arith.constant 0 : index
    %swap3A_555 = vector.load %arg10[%swap3A_552, %swap3A_553, %swap3A_554] : memref<128x100x128xf32, #tpu.memory_space<vmem>>, vector<128x100x128xf32>
    tpu.vector_store %arg10[%swap3A_552, %swap3A_553, %swap3A_554], %add3A_551 {strides = array<i32>} : memref<128x100x128xf32, #tpu.memory_space<vmem>>, vector<128x100x128xf32>,
    %dma_start3A_556 = arith.constant 2816 : i32
    %dma_start3A_557 = arith.constant 0 : i32
    %dma_start3A_558 = arith.constant 0 : i32
    %dma_start3A_559 = tpu.memref_slice %arg7[%dma_start3A_556, %dma_start3A_557, %dma_start3A_558] : memref<4096x100x128xf32, #tpu.memory_space<any>> -> memref<128x100x128xf32, #tpu.memory_space<any>>
    tpu.enqueue_dma source(%arg10 : memref<128x100x128xf32, #tpu.memory_space<vmem>>) target(%dma_start3A_559 : memref<128x100x128xf32, #tpu.memory_space<any>>) target_semaphore(%arg14 : memref<!tpu.dma_semaphore, #tpu.memory_space<semaphore_mem>>)
    %dma_wait3A_560 = arith.constant 2432 : i32
    %dma_wait3A_561 = arith.constant 0 : i32
    %dma_wait3A_562 = arith.constant 0 : i32
    %dma_wait3A_563 = tpu.memref_slice %arg7[%dma_wait3A_560, %dma_wait3A_561, %dma_wait3A_562] : memref<4096x100x128xf32, #tpu.memory_space<any>> -> memref<128x100x128xf32, #tpu.memory_space<any>>
    tpu.wait_dma2 semaphore(%arg15 : memref<!tpu.dma_semaphore, #tpu.memory_space<semaphore_mem>>) src(%arg11 : memref<128x100x128xf32, #tpu.memory_space<vmem>>) dst(%dma_wait3A_563 : memref<128x100x128xf32, #tpu.memory_space<any>>)
    %get3A_564 = arith.constant 2944 : index
    %get3A_565 = arith.constant 0 : index
    %get3A_566 = vector.load %arg6[%get3A_564, %get3A_565] : memref<4096x100xf32, #tpu.memory_space<vmem>>, vector<128x100xf32>
    %broadcast_in_dim3A_567 = vector.shape_cast %get3A_566 : vector<128x100xf32> to vector<128x100x1xf32>
    %broadcast_in_dim3A_568 = vector.shape_cast %dot_general3A_41 : vector<100x128xf32> to vector<1x100x128xf32>
    %mul3A_569 = vector.broadcast %broadcast_in_dim3A_567 : vector<128x100x1xf32> to vector<128x100x128xf32>
    %mul3A_570 = vector.broadcast %broadcast_in_dim3A_568 : vector<1x100x128xf32> to vector<128x100x128xf32>
    %mul3A_571 = arith.mulf %mul3A_569, %mul3A_570 : vector<128x100x128xf32>
    %broadcast_in_dim3A_572 = vector.shape_cast %dot_general3A_49 : vector<1x128xf32> to vector<1x1x128xf32>
    %add3A_573 = vector.broadcast %broadcast_in_dim3A_572 : vector<1x1x128xf32> to vector<128x100x128xf32>
    %add3A_574 = arith.addf %mul3A_571, %add3A_573 : vector<128x100x128xf32>
    %swap3A_575 = arith.constant 0 : index
    %swap3A_576 = arith.constant 0 : index
    %swap3A_577 = arith.constant 0 : index
    %swap3A_578 = vector.load %arg11[%swap3A_575, %swap3A_576, %swap3A_577] : memref<128x100x128xf32, #tpu.memory_space<vmem>>, vector<128x100x128xf32>
    tpu.vector_store %arg11[%swap3A_575, %swap3A_576, %swap3A_577], %add3A_574 {strides = array<i32>} : memref<128x100x128xf32, #tpu.memory_space<vmem>>, vector<128x100x128xf32>,
    %dma_start3A_579 = arith.constant 2944 : i32
    %dma_start3A_580 = arith.constant 0 : i32
    %dma_start3A_581 = arith.constant 0 : i32
    %dma_start3A_582 = tpu.memref_slice %arg7[%dma_start3A_579, %dma_start3A_580, %dma_start3A_581] : memref<4096x100x128xf32, #tpu.memory_space<any>> -> memref<128x100x128xf32, #tpu.memory_space<any>>
    tpu.enqueue_dma source(%arg11 : memref<128x100x128xf32, #tpu.memory_space<vmem>>) target(%dma_start3A_582 : memref<128x100x128xf32, #tpu.memory_space<any>>) target_semaphore(%arg15 : memref<!tpu.dma_semaphore, #tpu.memory_space<semaphore_mem>>)
    %dma_wait3A_583 = arith.constant 2560 : i32
    %dma_wait3A_584 = arith.constant 0 : i32
    %dma_wait3A_585 = arith.constant 0 : i32
    %dma_wait3A_586 = tpu.memref_slice %arg7[%dma_wait3A_583, %dma_wait3A_584, %dma_wait3A_585] : memref<4096x100x128xf32, #tpu.memory_space<any>> -> memref<128x100x128xf32, #tpu.memory_space<any>>
    tpu.wait_dma2 semaphore(%arg12 : memref<!tpu.dma_semaphore, #tpu.memory_space<semaphore_mem>>) src(%arg8 : memref<128x100x128xf32, #tpu.memory_space<vmem>>) dst(%dma_wait3A_586 : memref<128x100x128xf32, #tpu.memory_space<any>>)
    %get3A_587 = arith.constant 3072 : index
    %get3A_588 = arith.constant 0 : index
    %get3A_589 = vector.load %arg6[%get3A_587, %get3A_588] : memref<4096x100xf32, #tpu.memory_space<vmem>>, vector<128x100xf32>
    %broadcast_in_dim3A_590 = vector.shape_cast %get3A_589 : vector<128x100xf32> to vector<128x100x1xf32>
    %broadcast_in_dim3A_591 = vector.shape_cast %dot_general3A_41 : vector<100x128xf32> to vector<1x100x128xf32>
    %mul3A_592 = vector.broadcast %broadcast_in_dim3A_590 : vector<128x100x1xf32> to vector<128x100x128xf32>
    %mul3A_593 = vector.broadcast %broadcast_in_dim3A_591 : vector<1x100x128xf32> to vector<128x100x128xf32>
    %mul3A_594 = arith.mulf %mul3A_592, %mul3A_593 : vector<128x100x128xf32>
    %broadcast_in_dim3A_595 = vector.shape_cast %dot_general3A_49 : vector<1x128xf32> to vector<1x1x128xf32>
    %add3A_596 = vector.broadcast %broadcast_in_dim3A_595 : vector<1x1x128xf32> to vector<128x100x128xf32>
    %add3A_597 = arith.addf %mul3A_594, %add3A_596 : vector<128x100x128xf32>
    %swap3A_598 = arith.constant 0 : index
    %swap3A_599 = arith.constant 0 : index
    %swap3A_600 = arith.constant 0 : index
    %swap3A_601 = vector.load %arg8[%swap3A_598, %swap3A_599, %swap3A_600] : memref<128x100x128xf32, #tpu.memory_space<vmem>>, vector<128x100x128xf32>
    tpu.vector_store %arg8[%swap3A_598, %swap3A_599, %swap3A_600], %add3A_597 {strides = array<i32>} : memref<128x100x128xf32, #tpu.memory_space<vmem>>, vector<128x100x128xf32>,
    %dma_start3A_602 = arith.constant 3072 : i32
    %dma_start3A_603 = arith.constant 0 : i32
    %dma_start3A_604 = arith.constant 0 : i32
    %dma_start3A_605 = tpu.memref_slice %arg7[%dma_start3A_602, %dma_start3A_603, %dma_start3A_604] : memref<4096x100x128xf32, #tpu.memory_space<any>> -> memref<128x100x128xf32, #tpu.memory_space<any>>
    tpu.enqueue_dma source(%arg8 : memref<128x100x128xf32, #tpu.memory_space<vmem>>) target(%dma_start3A_605 : memref<128x100x128xf32, #tpu.memory_space<any>>) target_semaphore(%arg12 : memref<!tpu.dma_semaphore, #tpu.memory_space<semaphore_mem>>)
    %dma_wait3A_606 = arith.constant 2688 : i32
    %dma_wait3A_607 = arith.constant 0 : i32
    %dma_wait3A_608 = arith.constant 0 : i32
    %dma_wait3A_609 = tpu.memref_slice %arg7[%dma_wait3A_606, %dma_wait3A_607, %dma_wait3A_608] : memref<4096x100x128xf32, #tpu.memory_space<any>> -> memref<128x100x128xf32, #tpu.memory_space<any>>
    tpu.wait_dma2 semaphore(%arg13 : memref<!tpu.dma_semaphore, #tpu.memory_space<semaphore_mem>>) src(%arg9 : memref<128x100x128xf32, #tpu.memory_space<vmem>>) dst(%dma_wait3A_609 : memref<128x100x128xf32, #tpu.memory_space<any>>)
    %get3A_610 = arith.constant 3200 : index
    %get3A_611 = arith.constant 0 : index
    %get3A_612 = vector.load %arg6[%get3A_610, %get3A_611] : memref<4096x100xf32, #tpu.memory_space<vmem>>, vector<128x100xf32>
    %broadcast_in_dim3A_613 = vector.shape_cast %get3A_612 : vector<128x100xf32> to vector<128x100x1xf32>
    %broadcast_in_dim3A_614 = vector.shape_cast %dot_general3A_41 : vector<100x128xf32> to vector<1x100x128xf32>
    %mul3A_615 = vector.broadcast %broadcast_in_dim3A_613 : vector<128x100x1xf32> to vector<128x100x128xf32>
    %mul3A_616 = vector.broadcast %broadcast_in_dim3A_614 : vector<1x100x128xf32> to vector<128x100x128xf32>
    %mul3A_617 = arith.mulf %mul3A_615, %mul3A_616 : vector<128x100x128xf32>
    %broadcast_in_dim3A_618 = vector.shape_cast %dot_general3A_49 : vector<1x128xf32> to vector<1x1x128xf32>
    %add3A_619 = vector.broadcast %broadcast_in_dim3A_618 : vector<1x1x128xf32> to vector<128x100x128xf32>
    %add3A_620 = arith.addf %mul3A_617, %add3A_619 : vector<128x100x128xf32>
    %swap3A_621 = arith.constant 0 : index
    %swap3A_622 = arith.constant 0 : index
    %swap3A_623 = arith.constant 0 : index
    %swap3A_624 = vector.load %arg9[%swap3A_621, %swap3A_622, %swap3A_623] : memref<128x100x128xf32, #tpu.memory_space<vmem>>, vector<128x100x128xf32>
    tpu.vector_store %arg9[%swap3A_621, %swap3A_622, %swap3A_623], %add3A_620 {strides = array<i32>} : memref<128x100x128xf32, #tpu.memory_space<vmem>>, vector<128x100x128xf32>,
    %dma_start3A_625 = arith.constant 3200 : i32
    %dma_start3A_626 = arith.constant 0 : i32
    %dma_start3A_627 = arith.constant 0 : i32
    %dma_start3A_628 = tpu.memref_slice %arg7[%dma_start3A_625, %dma_start3A_626, %dma_start3A_627] : memref<4096x100x128xf32, #tpu.memory_space<any>> -> memref<128x100x128xf32, #tpu.memory_space<any>>
    tpu.enqueue_dma source(%arg9 : memref<128x100x128xf32, #tpu.memory_space<vmem>>) target(%dma_start3A_628 : memref<128x100x128xf32, #tpu.memory_space<any>>) target_semaphore(%arg13 : memref<!tpu.dma_semaphore, #tpu.memory_space<semaphore_mem>>)
    %dma_wait3A_629 = arith.constant 2816 : i32
    %dma_wait3A_630 = arith.constant 0 : i32
    %dma_wait3A_631 = arith.constant 0 : i32
    %dma_wait3A_632 = tpu.memref_slice %arg7[%dma_wait3A_629, %dma_wait3A_630, %dma_wait3A_631] : memref<4096x100x128xf32, #tpu.memory_space<any>> -> memref<128x100x128xf32, #tpu.memory_space<any>>
    tpu.wait_dma2 semaphore(%arg14 : memref<!tpu.dma_semaphore, #tpu.memory_space<semaphore_mem>>) src(%arg10 : memref<128x100x128xf32, #tpu.memory_space<vmem>>) dst(%dma_wait3A_632 : memref<128x100x128xf32, #tpu.memory_space<any>>)
    %get3A_633 = arith.constant 3328 : index
    %get3A_634 = arith.constant 0 : index
    %get3A_635 = vector.load %arg6[%get3A_633, %get3A_634] : memref<4096x100xf32, #tpu.memory_space<vmem>>, vector<128x100xf32>
    %broadcast_in_dim3A_636 = vector.shape_cast %get3A_635 : vector<128x100xf32> to vector<128x100x1xf32>
    %broadcast_in_dim3A_637 = vector.shape_cast %dot_general3A_41 : vector<100x128xf32> to vector<1x100x128xf32>
    %mul3A_638 = vector.broadcast %broadcast_in_dim3A_636 : vector<128x100x1xf32> to vector<128x100x128xf32>
    %mul3A_639 = vector.broadcast %broadcast_in_dim3A_637 : vector<1x100x128xf32> to vector<128x100x128xf32>
    %mul3A_640 = arith.mulf %mul3A_638, %mul3A_639 : vector<128x100x128xf32>
    %broadcast_in_dim3A_641 = vector.shape_cast %dot_general3A_49 : vector<1x128xf32> to vector<1x1x128xf32>
    %add3A_642 = vector.broadcast %broadcast_in_dim3A_641 : vector<1x1x128xf32> to vector<128x100x128xf32>
    %add3A_643 = arith.addf %mul3A_640, %add3A_642 : vector<128x100x128xf32>
    %swap3A_644 = arith.constant 0 : index
    %swap3A_645 = arith.constant 0 : index
    %swap3A_646 = arith.constant 0 : index
    %swap3A_647 = vector.load %arg10[%swap3A_644, %swap3A_645, %swap3A_646] : memref<128x100x128xf32, #tpu.memory_space<vmem>>, vector<128x100x128xf32>
    tpu.vector_store %arg10[%swap3A_644, %swap3A_645, %swap3A_646], %add3A_643 {strides = array<i32>} : memref<128x100x128xf32, #tpu.memory_space<vmem>>, vector<128x100x128xf32>,
    %dma_start3A_648 = arith.constant 3328 : i32
    %dma_start3A_649 = arith.constant 0 : i32
    %dma_start3A_650 = arith.constant 0 : i32
    %dma_start3A_651 = tpu.memref_slice %arg7[%dma_start3A_648, %dma_start3A_649, %dma_start3A_650] : memref<4096x100x128xf32, #tpu.memory_space<any>> -> memref<128x100x128xf32, #tpu.memory_space<any>>
    tpu.enqueue_dma source(%arg10 : memref<128x100x128xf32, #tpu.memory_space<vmem>>) target(%dma_start3A_651 : memref<128x100x128xf32, #tpu.memory_space<any>>) target_semaphore(%arg14 : memref<!tpu.dma_semaphore, #tpu.memory_space<semaphore_mem>>)
    %dma_wait3A_652 = arith.constant 2944 : i32
    %dma_wait3A_653 = arith.constant 0 : i32
    %dma_wait3A_654 = arith.constant 0 : i32
    %dma_wait3A_655 = tpu.memref_slice %arg7[%dma_wait3A_652, %dma_wait3A_653, %dma_wait3A_654] : memref<4096x100x128xf32, #tpu.memory_space<any>> -> memref<128x100x128xf32, #tpu.memory_space<any>>
    tpu.wait_dma2 semaphore(%arg15 : memref<!tpu.dma_semaphore, #tpu.memory_space<semaphore_mem>>) src(%arg11 : memref<128x100x128xf32, #tpu.memory_space<vmem>>) dst(%dma_wait3A_655 : memref<128x100x128xf32, #tpu.memory_space<any>>)
    %get3A_656 = arith.constant 3456 : index
    %get3A_657 = arith.constant 0 : index
    %get3A_658 = vector.load %arg6[%get3A_656, %get3A_657] : memref<4096x100xf32, #tpu.memory_space<vmem>>, vector<128x100xf32>
    %broadcast_in_dim3A_659 = vector.shape_cast %get3A_658 : vector<128x100xf32> to vector<128x100x1xf32>
    %broadcast_in_dim3A_660 = vector.shape_cast %dot_general3A_41 : vector<100x128xf32> to vector<1x100x128xf32>
    %mul3A_661 = vector.broadcast %broadcast_in_dim3A_659 : vector<128x100x1xf32> to vector<128x100x128xf32>
    %mul3A_662 = vector.broadcast %broadcast_in_dim3A_660 : vector<1x100x128xf32> to vector<128x100x128xf32>
    %mul3A_663 = arith.mulf %mul3A_661, %mul3A_662 : vector<128x100x128xf32>
    %broadcast_in_dim3A_664 = vector.shape_cast %dot_general3A_49 : vector<1x128xf32> to vector<1x1x128xf32>
    %add3A_665 = vector.broadcast %broadcast_in_dim3A_664 : vector<1x1x128xf32> to vector<128x100x128xf32>
    %add3A_666 = arith.addf %mul3A_663, %add3A_665 : vector<128x100x128xf32>
    %swap3A_667 = arith.constant 0 : index
    %swap3A_668 = arith.constant 0 : index
    %swap3A_669 = arith.constant 0 : index
    %swap3A_670 = vector.load %arg11[%swap3A_667, %swap3A_668, %swap3A_669] : memref<128x100x128xf32, #tpu.memory_space<vmem>>, vector<128x100x128xf32>
    tpu.vector_store %arg11[%swap3A_667, %swap3A_668, %swap3A_669], %add3A_666 {strides = array<i32>} : memref<128x100x128xf32, #tpu.memory_space<vmem>>, vector<128x100x128xf32>,
    %dma_start3A_671 = arith.constant 3456 : i32
    %dma_start3A_672 = arith.constant 0 : i32
    %dma_start3A_673 = arith.constant 0 : i32
    %dma_start3A_674 = tpu.memref_slice %arg7[%dma_start3A_671, %dma_start3A_672, %dma_start3A_673] : memref<4096x100x128xf32, #tpu.memory_space<any>> -> memref<128x100x128xf32, #tpu.memory_space<any>>
    tpu.enqueue_dma source(%arg11 : memref<128x100x128xf32, #tpu.memory_space<vmem>>) target(%dma_start3A_674 : memref<128x100x128xf32, #tpu.memory_space<any>>) target_semaphore(%arg15 : memref<!tpu.dma_semaphore, #tpu.memory_space<semaphore_mem>>)
    %dma_wait3A_675 = arith.constant 3072 : i32
    %dma_wait3A_676 = arith.constant 0 : i32
    %dma_wait3A_677 = arith.constant 0 : i32
    %dma_wait3A_678 = tpu.memref_slice %arg7[%dma_wait3A_675, %dma_wait3A_676, %dma_wait3A_677] : memref<4096x100x128xf32, #tpu.memory_space<any>> -> memref<128x100x128xf32, #tpu.memory_space<any>>
    tpu.wait_dma2 semaphore(%arg12 : memref<!tpu.dma_semaphore, #tpu.memory_space<semaphore_mem>>) src(%arg8 : memref<128x100x128xf32, #tpu.memory_space<vmem>>) dst(%dma_wait3A_678 : memref<128x100x128xf32, #tpu.memory_space<any>>)
    %get3A_679 = arith.constant 3584 : index
    %get3A_680 = arith.constant 0 : index
    %get3A_681 = vector.load %arg6[%get3A_679, %get3A_680] : memref<4096x100xf32, #tpu.memory_space<vmem>>, vector<128x100xf32>
    %broadcast_in_dim3A_682 = vector.shape_cast %get3A_681 : vector<128x100xf32> to vector<128x100x1xf32>
    %broadcast_in_dim3A_683 = vector.shape_cast %dot_general3A_41 : vector<100x128xf32> to vector<1x100x128xf32>
    %mul3A_684 = vector.broadcast %broadcast_in_dim3A_682 : vector<128x100x1xf32> to vector<128x100x128xf32>
    %mul3A_685 = vector.broadcast %broadcast_in_dim3A_683 : vector<1x100x128xf32> to vector<128x100x128xf32>
    %mul3A_686 = arith.mulf %mul3A_684, %mul3A_685 : vector<128x100x128xf32>
    %broadcast_in_dim3A_687 = vector.shape_cast %dot_general3A_49 : vector<1x128xf32> to vector<1x1x128xf32>
    %add3A_688 = vector.broadcast %broadcast_in_dim3A_687 : vector<1x1x128xf32> to vector<128x100x128xf32>
    %add3A_689 = arith.addf %mul3A_686, %add3A_688 : vector<128x100x128xf32>
    %swap3A_690 = arith.constant 0 : index
    %swap3A_691 = arith.constant 0 : index
    %swap3A_692 = arith.constant 0 : index
    %swap3A_693 = vector.load %arg8[%swap3A_690, %swap3A_691, %swap3A_692] : memref<128x100x128xf32, #tpu.memory_space<vmem>>, vector<128x100x128xf32>
    tpu.vector_store %arg8[%swap3A_690, %swap3A_691, %swap3A_692], %add3A_689 {strides = array<i32>} : memref<128x100x128xf32, #tpu.memory_space<vmem>>, vector<128x100x128xf32>,
    %dma_start3A_694 = arith.constant 3584 : i32
    %dma_start3A_695 = arith.constant 0 : i32
    %dma_start3A_696 = arith.constant 0 : i32
    %dma_start3A_697 = tpu.memref_slice %arg7[%dma_start3A_694, %dma_start3A_695, %dma_start3A_696] : memref<4096x100x128xf32, #tpu.memory_space<any>> -> memref<128x100x128xf32, #tpu.memory_space<any>>
    tpu.enqueue_dma source(%arg8 : memref<128x100x128xf32, #tpu.memory_space<vmem>>) target(%dma_start3A_697 : memref<128x100x128xf32, #tpu.memory_space<any>>) target_semaphore(%arg12 : memref<!tpu.dma_semaphore, #tpu.memory_space<semaphore_mem>>)
    %dma_wait3A_698 = arith.constant 3200 : i32
    %dma_wait3A_699 = arith.constant 0 : i32
    %dma_wait3A_700 = arith.constant 0 : i32
    %dma_wait3A_701 = tpu.memref_slice %arg7[%dma_wait3A_698, %dma_wait3A_699, %dma_wait3A_700] : memref<4096x100x128xf32, #tpu.memory_space<any>> -> memref<128x100x128xf32, #tpu.memory_space<any>>
    tpu.wait_dma2 semaphore(%arg13 : memref<!tpu.dma_semaphore, #tpu.memory_space<semaphore_mem>>) src(%arg9 : memref<128x100x128xf32, #tpu.memory_space<vmem>>) dst(%dma_wait3A_701 : memref<128x100x128xf32, #tpu.memory_space<any>>)
    %get3A_702 = arith.constant 3712 : index
    %get3A_703 = arith.constant 0 : index
    %get3A_704 = vector.load %arg6[%get3A_702, %get3A_703] : memref<4096x100xf32, #tpu.memory_space<vmem>>, vector<128x100xf32>
    %broadcast_in_dim3A_705 = vector.shape_cast %get3A_704 : vector<128x100xf32> to vector<128x100x1xf32>
    %broadcast_in_dim3A_706 = vector.shape_cast %dot_general3A_41 : vector<100x128xf32> to vector<1x100x128xf32>
    %mul3A_707 = vector.broadcast %broadcast_in_dim3A_705 : vector<128x100x1xf32> to vector<128x100x128xf32>
    %mul3A_708 = vector.broadcast %broadcast_in_dim3A_706 : vector<1x100x128xf32> to vector<128x100x128xf32>
    %mul3A_709 = arith.mulf %mul3A_707, %mul3A_708 : vector<128x100x128xf32>
    %broadcast_in_dim3A_710 = vector.shape_cast %dot_general3A_49 : vector<1x128xf32> to vector<1x1x128xf32>
    %add3A_711 = vector.broadcast %broadcast_in_dim3A_710 : vector<1x1x128xf32> to vector<128x100x128xf32>
    %add3A_712 = arith.addf %mul3A_709, %add3A_711 : vector<128x100x128xf32>
    %swap3A_713 = arith.constant 0 : index
    %swap3A_714 = arith.constant 0 : index
    %swap3A_715 = arith.constant 0 : index
    %swap3A_716 = vector.load %arg9[%swap3A_713, %swap3A_714, %swap3A_715] : memref<128x100x128xf32, #tpu.memory_space<vmem>>, vector<128x100x128xf32>
    tpu.vector_store %arg9[%swap3A_713, %swap3A_714, %swap3A_715], %add3A_712 {strides = array<i32>} : memref<128x100x128xf32, #tpu.memory_space<vmem>>, vector<128x100x128xf32>,
    %dma_start3A_717 = arith.constant 3712 : i32
    %dma_start3A_718 = arith.constant 0 : i32
    %dma_start3A_719 = arith.constant 0 : i32
    %dma_start3A_720 = tpu.memref_slice %arg7[%dma_start3A_717, %dma_start3A_718, %dma_start3A_719] : memref<4096x100x128xf32, #tpu.memory_space<any>> -> memref<128x100x128xf32, #tpu.memory_space<any>>
    tpu.enqueue_dma source(%arg9 : memref<128x100x128xf32, #tpu.memory_space<vmem>>) target(%dma_start3A_720 : memref<128x100x128xf32, #tpu.memory_space<any>>) target_semaphore(%arg13 : memref<!tpu.dma_semaphore, #tpu.memory_space<semaphore_mem>>)
    %dma_wait3A_721 = arith.constant 3328 : i32
    %dma_wait3A_722 = arith.constant 0 : i32
    %dma_wait3A_723 = arith.constant 0 : i32
    %dma_wait3A_724 = tpu.memref_slice %arg7[%dma_wait3A_721, %dma_wait3A_722, %dma_wait3A_723] : memref<4096x100x128xf32, #tpu.memory_space<any>> -> memref<128x100x128xf32, #tpu.memory_space<any>>
    tpu.wait_dma2 semaphore(%arg14 : memref<!tpu.dma_semaphore, #tpu.memory_space<semaphore_mem>>) src(%arg10 : memref<128x100x128xf32, #tpu.memory_space<vmem>>) dst(%dma_wait3A_724 : memref<128x100x128xf32, #tpu.memory_space<any>>)
    %get3A_725 = arith.constant 3840 : index
    %get3A_726 = arith.constant 0 : index
    %get3A_727 = vector.load %arg6[%get3A_725, %get3A_726] : memref<4096x100xf32, #tpu.memory_space<vmem>>, vector<128x100xf32>
    %broadcast_in_dim3A_728 = vector.shape_cast %get3A_727 : vector<128x100xf32> to vector<128x100x1xf32>
    %broadcast_in_dim3A_729 = vector.shape_cast %dot_general3A_41 : vector<100x128xf32> to vector<1x100x128xf32>
    %mul3A_730 = vector.broadcast %broadcast_in_dim3A_728 : vector<128x100x1xf32> to vector<128x100x128xf32>
    %mul3A_731 = vector.broadcast %broadcast_in_dim3A_729 : vector<1x100x128xf32> to vector<128x100x128xf32>
    %mul3A_732 = arith.mulf %mul3A_730, %mul3A_731 : vector<128x100x128xf32>
    %broadcast_in_dim3A_733 = vector.shape_cast %dot_general3A_49 : vector<1x128xf32> to vector<1x1x128xf32>
    %add3A_734 = vector.broadcast %broadcast_in_dim3A_733 : vector<1x1x128xf32> to vector<128x100x128xf32>
    %add3A_735 = arith.addf %mul3A_732, %add3A_734 : vector<128x100x128xf32>
    %swap3A_736 = arith.constant 0 : index
    %swap3A_737 = arith.constant 0 : index
    %swap3A_738 = arith.constant 0 : index
    %swap3A_739 = vector.load %arg10[%swap3A_736, %swap3A_737, %swap3A_738] : memref<128x100x128xf32, #tpu.memory_space<vmem>>, vector<128x100x128xf32>
    tpu.vector_store %arg10[%swap3A_736, %swap3A_737, %swap3A_738], %add3A_735 {strides = array<i32>} : memref<128x100x128xf32, #tpu.memory_space<vmem>>, vector<128x100x128xf32>,
    %dma_start3A_740 = arith.constant 3840 : i32
    %dma_start3A_741 = arith.constant 0 : i32
    %dma_start3A_742 = arith.constant 0 : i32
    %dma_start3A_743 = tpu.memref_slice %arg7[%dma_start3A_740, %dma_start3A_741, %dma_start3A_742] : memref<4096x100x128xf32, #tpu.memory_space<any>> -> memref<128x100x128xf32, #tpu.memory_space<any>>
    tpu.enqueue_dma source(%arg10 : memref<128x100x128xf32, #tpu.memory_space<vmem>>) target(%dma_start3A_743 : memref<128x100x128xf32, #tpu.memory_space<any>>) target_semaphore(%arg14 : memref<!tpu.dma_semaphore, #tpu.memory_space<semaphore_mem>>)
    %dma_wait3A_744 = arith.constant 3456 : i32
    %dma_wait3A_745 = arith.constant 0 : i32
    %dma_wait3A_746 = arith.constant 0 : i32
    %dma_wait3A_747 = tpu.memref_slice %arg7[%dma_wait3A_744, %dma_wait3A_745, %dma_wait3A_746] : memref<4096x100x128xf32, #tpu.memory_space<any>> -> memref<128x100x128xf32, #tpu.memory_space<any>>
    tpu.wait_dma2 semaphore(%arg15 : memref<!tpu.dma_semaphore, #tpu.memory_space<semaphore_mem>>) src(%arg11 : memref<128x100x128xf32, #tpu.memory_space<vmem>>) dst(%dma_wait3A_747 : memref<128x100x128xf32, #tpu.memory_space<any>>)
    %get3A_748 = arith.constant 3968 : index
    %get3A_749 = arith.constant 0 : index
    %get3A_750 = vector.load %arg6[%get3A_748, %get3A_749] : memref<4096x100xf32, #tpu.memory_space<vmem>>, vector<128x100xf32>
    %broadcast_in_dim3A_751 = vector.shape_cast %get3A_750 : vector<128x100xf32> to vector<128x100x1xf32>
    %broadcast_in_dim3A_752 = vector.shape_cast %dot_general3A_41 : vector<100x128xf32> to vector<1x100x128xf32>
    %mul3A_753 = vector.broadcast %broadcast_in_dim3A_751 : vector<128x100x1xf32> to vector<128x100x128xf32>
    %mul3A_754 = vector.broadcast %broadcast_in_dim3A_752 : vector<1x100x128xf32> to vector<128x100x128xf32>
    %mul3A_755 = arith.mulf %mul3A_753, %mul3A_754 : vector<128x100x128xf32>
    %broadcast_in_dim3A_756 = vector.shape_cast %dot_general3A_49 : vector<1x128xf32> to vector<1x1x128xf32>
    %add3A_757 = vector.broadcast %broadcast_in_dim3A_756 : vector<1x1x128xf32> to vector<128x100x128xf32>
    %add3A_758 = arith.addf %mul3A_755, %add3A_757 : vector<128x100x128xf32>
    %swap3A_759 = arith.constant 0 : index
    %swap3A_760 = arith.constant 0 : index
    %swap3A_761 = arith.constant 0 : index
    %swap3A_762 = vector.load %arg11[%swap3A_759, %swap3A_760, %swap3A_761] : memref<128x100x128xf32, #tpu.memory_space<vmem>>, vector<128x100x128xf32>
    tpu.vector_store %arg11[%swap3A_759, %swap3A_760, %swap3A_761], %add3A_758 {strides = array<i32>} : memref<128x100x128xf32, #tpu.memory_space<vmem>>, vector<128x100x128xf32>,
    %dma_start3A_763 = arith.constant 3968 : i32
    %dma_start3A_764 = arith.constant 0 : i32
    %dma_start3A_765 = arith.constant 0 : i32
    %dma_start3A_766 = tpu.memref_slice %arg7[%dma_start3A_763, %dma_start3A_764, %dma_start3A_765] : memref<4096x100x128xf32, #tpu.memory_space<any>> -> memref<128x100x128xf32, #tpu.memory_space<any>>
    tpu.enqueue_dma source(%arg11 : memref<128x100x128xf32, #tpu.memory_space<vmem>>) target(%dma_start3A_766 : memref<128x100x128xf32, #tpu.memory_space<any>>) target_semaphore(%arg15 : memref<!tpu.dma_semaphore, #tpu.memory_space<semaphore_mem>>)
    %dma_wait3A_767 = arith.constant 3584 : i32
    %dma_wait3A_768 = arith.constant 0 : i32
    %dma_wait3A_769 = arith.constant 0 : i32
    %dma_wait3A_770 = tpu.memref_slice %arg7[%dma_wait3A_767, %dma_wait3A_768, %dma_wait3A_769] : memref<4096x100x128xf32, #tpu.memory_space<any>> -> memref<128x100x128xf32, #tpu.memory_space<any>>
    tpu.wait_dma2 semaphore(%arg12 : memref<!tpu.dma_semaphore, #tpu.memory_space<semaphore_mem>>) src(%arg8 : memref<128x100x128xf32, #tpu.memory_space<vmem>>) dst(%dma_wait3A_770 : memref<128x100x128xf32, #tpu.memory_space<any>>)
    %dma_wait3A_771 = arith.constant 3712 : i32
    %dma_wait3A_772 = arith.constant 0 : i32
    %dma_wait3A_773 = arith.constant 0 : i32
    %dma_wait3A_774 = tpu.memref_slice %arg7[%dma_wait3A_771, %dma_wait3A_772, %dma_wait3A_773] : memref<4096x100x128xf32, #tpu.memory_space<any>> -> memref<128x100x128xf32, #tpu.memory_space<any>>
    tpu.wait_dma2 semaphore(%arg13 : memref<!tpu.dma_semaphore, #tpu.memory_space<semaphore_mem>>) src(%arg9 : memref<128x100x128xf32, #tpu.memory_space<vmem>>) dst(%dma_wait3A_774 : memref<128x100x128xf32, #tpu.memory_space<any>>)
    %dma_wait3A_775 = arith.constant 3840 : i32
    %dma_wait3A_776 = arith.constant 0 : i32
    %dma_wait3A_777 = arith.constant 0 : i32
    %dma_wait3A_778 = tpu.memref_slice %arg7[%dma_wait3A_775, %dma_wait3A_776, %dma_wait3A_777] : memref<4096x100x128xf32, #tpu.memory_space<any>> -> memref<128x100x128xf32, #tpu.memory_space<any>>
    tpu.wait_dma2 semaphore(%arg14 : memref<!tpu.dma_semaphore, #tpu.memory_space<semaphore_mem>>) src(%arg10 : memref<128x100x128xf32, #tpu.memory_space<vmem>>) dst(%dma_wait3A_778 : memref<128x100x128xf32, #tpu.memory_space<any>>)
    %dma_wait3A_779 = arith.constant 3968 : i32
    %dma_wait3A_780 = arith.constant 0 : i32
    %dma_wait3A_781 = arith.constant 0 : i32
    %dma_wait3A_782 = tpu.memref_slice %arg7[%dma_wait3A_779, %dma_wait3A_780, %dma_wait3A_781] : memref<4096x100x128xf32, #tpu.memory_space<any>> -> memref<128x100x128xf32, #tpu.memory_space<any>>
    tpu.wait_dma2 semaphore(%arg15 : memref<!tpu.dma_semaphore, #tpu.memory_space<semaphore_mem>>) src(%arg11 : memref<128x100x128xf32, #tpu.memory_space<vmem>>) dst(%dma_wait3A_782 : memref<128x100x128xf32, #tpu.memory_space<any>>)
    return
  }
}

</mosaic_0001>

<sc_bundles>
// kernel: kernel.4.cloned.1.call-start
scs
__scs_entry_jumppad:
0x0: {  	(pc) =	sbr.rel $0x88, $3  }
0x1: {  	(tag) =	ssettag $0x0;
	lr =	simm.s32 $0x1  }
0x2: {  	[smem:$0x3F99] =	sst lr;
	_ =	strace $0xD0000000  }
0x3: {  	_ = 	snop  }
0x4: {  	_ = 	snop  }
0x5: {  	_ = 	snop  }
0x6: {  	_ = 	snop  }
0x7: {  	_ = 	snop  }
__scs_overlays_trampoline_lowered:
0x8: {  	[smem:$0x3FA8] =	sst s0  }
0x9: {  	[smem:$0x3FA9] =	sst s1  }
0xa: {  	[smem:$0x3FAA] =	sst s2  }
0xb: {  	[smem:$0x3FAB] =	sst s3  }
0xc: {  	[smem:$0x3FAC] =	sst s4  }
0xd: {  	[smem:$0x3FAD] =	sst s5  }
0xe: {  	[smem:$0x3FAE] =	sst s6  }
0xf: {  	[smem:$0x3FAF] =	sst s7  }
0x10: {  	[smem:$0x3FB0] =	sst s8  }
0x11: {  	[smem:$0x3FB1] =	sst s9;
	s0 =	simm.s32 @!p0 $0x0  }
0x12: {  	s1 =	sld [smem:$0x3F97];
	s0 =	simm.s32 @p0 $0x1  }
0x13: {  	[smem:$0x3FB2] =	sst s0;
	s0 =	simm.s32 @!p1 $0x0  }
0x14: {  	s2 =	sld [smem:$0x3F96];
	s0 =	simm.s32 @p1 $0x1  }
0x15: {  	[smem:$0x3FB3] =	sst s0;
	s0 =	simm.s32 @!p2 $0x0  }
0x16: {  	s3 =	sld [smem:$0x3FDB];
	s0 =	simm.s32 @p2 $0x1  }
0x17: {  	s4 =	simm.s32 $0x1BF5;
	[smem:$0x3FB5] =	sst s0  }
0x18: {  	s0 =	sld [smem:$0x3F98];
	_ =	swait.ge [sflag:s4], $0x0  }
0x19: {  	s7 =	sld [smem:$0x3F99]  }
0x1a: {  	s8 =	sadd.s32 $0xFFFFE003, lr  }
0x1b: {  	s9 =	sadd.s32 $0xFFFFFEF7, lr;
	s5 =	simm.s32 $0xFFFFFFFF;
	p2 =	slt.u32 s8, $0xFFFFF086  }
0x1c: {  	p1 =	slt.u32 s9, $0xF7A;
	s5 =	simm.s32 @!p2 $0x0  }
0x1d: {  	s5 =	simm.s32 @p1 $0x1;
	p0 =	seq.s32 s7, s2  }
0x1e: {  	s7 =	smul.u32 @!p0 $0xF7A, s2;
	p2 =	seq.s32 @!p0 s5, $0x0  }
0x1f: {  	s9 =	smul.u32 $0xF7A, s1;
	s8 =	simm.s32 @!p0 $0x1BF5;
	p2 =	por !p2, p0  }
0x20: {  	[sflag:s8] =	ssyncset.s32 @!p0 $0xFFFFF086;
	s6 =	sadd.s32 @!p0 s3, s7;
	s7 =	simm.s32 @!p0 $0x108  }
0x21: {  	s3 =	sadd.s32 s3, s9;
	s6 =	sadd.s32 @!p0 $0x88, s6;
	s7 =	simm.s32 @p2 $0x1082  }
0x22: {  	[simem:s7], [sflag:s8] =	dma.local @!p0 [hbm:s6], $0xF7A  }
0x23: {  	s9 =	sor.u32 $0xD0000000, s2;
	s6 =	simm.s32 $0x108;
	_ =	swait.ge @!p0 [sflag:s8], $0x0  }
0x24: {  	s3 =	sadd.s32 $0x88, s3;
	s6 =	simm.s32 @!p1 $0x1082;
	[sflag:s4] =	ssyncset.s32 $0xFFFFF086  }
0x25: {  	[simem:s6], [sflag:s4] =	dma.local [hbm:s3], $0xF7A  }
0x26: {  	[smem:$0x3F99] =	sst s1;
	(tag) =	ssettag s2;
	_ =	strace s9  }
0x27: {  	s1 =	sld [smem:$0x3FA9]  }
0x28: {  	s2 =	sld [smem:$0x3FAA]  }
0x29: {  	s4 =	sld [smem:$0x3FAC]  }
0x2a: {  	p0 =	seq.s32 s5, $0x0;
	s5 =	sld [smem:$0x3FAD]  }
0x2b: {  	s6 =	sld [smem:$0x3FAE]  }
0x2c: {  	s7 =	sld [smem:$0x3FAF]  }
0x2d: {  	s3 =	simm.s32 $0x108;
	s8 =	sld [smem:$0x3FB0]  }
0x2e: {  	s3 =	simm.s32 @!p0 $0x1082;
	s9 =	sld [smem:$0x3FB1]  }
0x2f: {  	lr =	sadd.s32 s0, s3;
	s0 =	sld [smem:$0x3FA8]  }
0x30: {  	s3 =	sld [smem:$0x3FAB]  }
0x31: {  	[smem:$0x3FB4] =	sst s10  }
0x32: {  	s10 =	sld [smem:$0x3FB2];
	_ =	sdelay $0x3  }
0x33: {  	p0 =	seq.s32 s10, $0x1;
	s10 =	sld [smem:$0x3FB4];
	_ =	sdelay $0x3  }
0x34: {  	[smem:$0x3FB4] =	sst s10  }
0x35: {  	s10 =	sld [smem:$0x3FB3];
	_ =	sdelay $0x3  }
0x36: {  	p1 =	seq.s32 s10, $0x1;
	s10 =	sld [smem:$0x3FB4];
	_ =	sdelay $0x3  }
0x37: {  	[smem:$0x3FB4] =	sst s10  }
0x38: {  	s10 =	sld [smem:$0x3FB5]  }
0x39: {  	_ = 	snop;
	(pc) =	sbr.ind lr, $3  }
0x3a: {  	_ = 	snop  }
0x3b: {  	_ = 	snop  }
0x3c: {  	p2 =	seq.s32 s10, $0x1;
	s10 =	sld [smem:$0x3FB4]  }
0x3d: {  	_ =	shalt  }
0x3e: {  	_ =	shalt  }
0x3f: {  	_ =	shalt  }
0x40: {  	_ =	shalt  }
0x41: {  	_ =	shalt  }
0x42: {  	_ =	shalt  }
0x43: {  	_ =	shalt  }
0x44: {  	_ =	shalt  }
0x45: {  	_ =	shalt  }
0x46: {  	_ =	shalt  }
0x47: {  	_ =	shalt  }
0x48: {  	_ =	shalt  }
0x49: {  	_ =	shalt  }
0x4a: {  	_ =	shalt  }
0x4b: {  	_ =	shalt  }
0x4c: {  	_ =	shalt  }
0x4d: {  	_ =	shalt  }
0x4e: {  	_ =	shalt  }
0x4f: {  	_ =	shalt  }
0x50: {  	_ =	shalt  }
0x51: {  	_ =	shalt  }
0x52: {  	_ =	shalt  }
0x53: {  	_ =	shalt  }
0x54: {  	_ =	shalt  }
0x55: {  	_ =	shalt  }
0x56: {  	_ =	shalt  }
0x57: {  	_ =	shalt  }
0x58: {  	_ =	shalt  }
0x59: {  	_ =	shalt  }
0x5a: {  	_ =	shalt  }
0x5b: {  	_ =	shalt  }
0x5c: {  	_ =	shalt  }
0x5d: {  	_ =	shalt  }
0x5e: {  	_ =	shalt  }
0x5f: {  	_ =	shalt  }
0x60: {  	_ =	shalt  }
0x61: {  	_ =	shalt  }
0x62: {  	_ =	shalt  }
0x63: {  	_ =	shalt  }
0x64: {  	_ =	shalt  }
0x65: {  	_ =	shalt  }
0x66: {  	_ =	shalt  }
0x67: {  	_ =	shalt  }
0x68: {  	_ =	shalt  }
0x69: {  	_ =	shalt  }
0x6a: {  	_ =	shalt  }
0x6b: {  	_ =	shalt  }
0x6c: {  	_ =	shalt  }
0x6d: {  	_ =	shalt  }
0x6e: {  	_ =	shalt  }
0x6f: {  	_ =	shalt  }
0x70: {  	_ =	shalt  }
0x71: {  	_ =	shalt  }
0x72: {  	_ =	shalt  }
0x73: {  	_ =	shalt  }
0x74: {  	_ =	shalt  }
0x75: {  	_ =	shalt  }
0x76: {  	_ =	shalt  }
0x77: {  	_ =	shalt  }
0x78: {  	_ =	shalt  }
0x79: {  	_ =	shalt  }
0x7a: {  	_ =	shalt  }
0x7b: {  	_ =	shalt  }
0x7c: {  	_ =	shalt  }
0x7d: {  	_ =	shalt  }
0x7e: {  	_ =	shalt  }
0x7f: {  	_ =	shalt  }
0x80: {  	_ =	shalt  }
0x81: {  	_ =	shalt  }
0x82: {  	_ =	shalt  }
0x83: {  	_ =	shalt  }
0x84: {  	_ =	shalt  }
0x85: {  	_ =	shalt  }
0x86: {  	_ =	shalt  }
0x87: {  	_ =	shalt  }
.Lfunc_end0:
.L_simem_size_0:
called_computation_lowered:
.L_overlay_start_0:
0x88: {  	s2 =	sld [smem:$0x3FD9]  }
0x89: {  	s3 =	sld [smem:$0x3FFE];
	_ =	sdelay $0x1  }
0x8a: {  	s1 =	srdreg.scid  }
0x8b: {  	s0 =	sand.u32 $0x1, s1  }
0x8c: {  	s15 =	sshll.u32 s0, $0xA;
	s2 =	sadd.s32 s3, s2  }
0x8d: {  	s2 =	sadd.s32 s2, s15  }
0x8e: {  	[smem:$0x3FC0] =	sst s2  }
0x8f: {  	_ = 	snop  }
0x90: {  	s2 =	sld [smem:$0x3FD0];
	_ =	sdelay $0x2  }
0x91: {  	s4 =	simm.s32 $0xA;
	s5 =	simm.s32 $0x10;
	s16 =	sld [smem:$0x3FC6]  }
0x92: {  	[smem:s5], [sflag:s4] =	dma.local [hbm:s2], $0x1  }
0x93: {  	_ =	swait.eq [sflag:s4], $0x1  }
0x94: {  	[sflag:s4] =	ssyncset.done $0x0  }
0x95: {  	s17 =	sld [smem:$0x10];
	[sflag:s4] =	ssyncadd.s32 $0xFFFFFFFF  }
0x96: {  	s18 =	sld [smem:$0x11];
	(tm) =	ssettm $0x1  }
0x97: {  	s19 =	sld [smem:$0x3FFB];
	_ =	sdelay $0x3  }
0x98: {  	_ =	strace s19  }
0x99: {  	s5 =	sld [smem:$0x3FFC];
	_ =	sdelay $0x3  }
0x9a: {  	_ =	strace s5  }
0x9b: {  	s5 =	sld [smem:$0x3FFD];
	_ =	sdelay $0x3  }
0x9c: {  	_ =	strace s5  }
0x9d: {  	_ =	strace $0x8FFFFFFF  }
0x9e: {  	s20 =	sld [smem:$0x3FDB];
	_ =	sdelay $0x1  }
0x9f: {  	s6 =	simm.s32 $_scs_section_size  }
0xa0: {  	s7 =	simm.s32 $_size__tile_overlayer_lowered;
	s8 =	simm.s32 $_tile_overlayer_lowered  }
0xa1: {  	s23 =	simm.s32 $0x1BFF;
	s22 =	sshll.u32 s8, $0x1;
	s5 =	sadd.s32 s6, s20  }
0xa2: {  	s9 =	simm.s32 $0x0;
	s21 =	sshll.u32 s7, $0x1;
	s7 =	sadd.s32 s22, s5  }
0xa3: {  	[timem:s9], [sflag:s23] =	dma.local [hbm:s7], s21  }
0xa4: {  	_ =	swait.ge [sflag:s23], s21  }
0xa5: {  	s6 =	ssub.s32 $0x0, s21;
	[sflag:s23] =	ssyncset.done $0x0  }
0xa6: {  	[sflag:s23] =	ssyncadd.s32 s6;
	_ =	sdelay $0x1  }
0xa7: {  	s24 =	simm.s32 $0x1B8B  }
0xa8: {  	_ =	swait.ge [sflag:s24], $0x1  }
0xa9: {  	[sflag:s24] =	ssyncset.done $0x0  }
0xaa: {  	s25 =	simm.s32 $0x1B8E;
	[sflag:s24] =	ssyncadd.s32 $0xFFFFFFFF  }
0xab: {  	s26 =	simm.s32 $execute0_lowered;
	[smem:$0x3FD2] =	sst s25  }
0xac: {  	s6 =	sshll.u32 s26, $0x1;
	_ =	strace $0x80000046;
	[dreg:$0x1] =	wrdreg $0xFFFFFFFF  }
0xad: {  	s28 =	simm.s32 $_size_execute0_lowered;
	s5 =	sadd.s32 s5, s6;
	[dreg:$0x0] =	wrdreg $0x0  }
0xae: {  	s6 =	sshll.u32 s28, $0x1;
	[dreg:$0x2] =	wrdreg s5  }
0xaf: {  	[dreg:$0x3] =	wrdreg s6  }
0xb0: {  	[dreg:$0x4] =	wrdreg $0xC0  }
0xb1: {  	_ =	task [dreg:s9], $0x5FFFF  }
0xb2: {  	[dreg:$0x1] =	wrdreg $0xFFFFFFFF  }
0xb3: {  	[dreg:$0x0] =	wrdreg $0x60  }
0xb4: {  	[dreg:$0x2] =	wrdreg s16  }
0xb5: {  	[dreg:$0x3] =	wrdreg s17  }
0xb6: {  	[dreg:$0x4] =	wrdreg s18  }
0xb7: {  	[dreg:$0x5] =	wrdreg $0x9  }
0xb8: {  	_ =	task.clear_ibuf [dreg:s9], $0x6FFFF;
	_ =	strace $0x90000046  }
0xb9: {  	s29 =	simm.s32 $0x9;
	_ =	strace $0x80000048  }
0xba: {  	_ =	swait.ge [sflag:s29], $0x1  }
0xbb: {  	[sflag:s29] =	ssyncadd.s32 $0xFFFFFFFF  }
0xbc: {  	_ =	strace $0x90000048  }
0xbd: {  	_ =	sfence  }
0xbe: {  	s30 =	sld [smem:$0x0];
	_ =	sdelay $0x2  }
0xbf: {  	s31 =	sshll.u32 s1, $0xD;
	s1 =	sshrl.u32 s1, $0x2  }
0xc0: {  	s3 =	sand.u32 $0x4000, s31;
	s1 =	sadd.s32 s1, s30  }
0xc1: {  	s0 =	sor.u32 s3, s0;
	s1 =	sshll.u32 s1, $0x11  }
0xc2: {  	s0 =	sor.u32 s1, s0  }
0xc3: {  	s0 =	sadd.s32 $0x8F2B, s0  }
0xc4: {  	[sflag:s0] =	ssyncadd.remote.s32 $0x1  }
0xc5: {  	_ =	sfence.sel $0xFFFF  }
0xc6: {  	[dreg:$0x0] =	wrdreg $0xFFFFFFFF;
	(pc) =	sbr.abs _section_cstart, $3  }
0xc7: {  	[dreg:$0x1] =	wrdreg $0xFFFFFFFF  }
0xc8: {  	_ =	task.clear_ibuf [dreg:s9], $0x2FFFF;
	_ =	strace $0x9FFFFFFF  }
0xc9: {  	(tm) =	ssettm $0x7FFFFFFF  }
tec
execute0_lowered:
.L_overlay_start_1:
0x0: {  	(tag) =	ssettag $0x1  }
0x1: {  	s1 =	rddreg [dreg:$0x0]  }
0x2: {  	s2 =	srdreg.scid;
	s4 =	rddreg [dreg:$0x1]  }
0x3: {  	s0 =	stileid.u32;
	s9 =	rddreg [dreg:$0x2];
	s6 =	sand.u32 $0x1, s2  }
0x4: {  	s3 =	simm.s32 $0x0;
	s5 =	sshll.u32 s0, $0x7;
	s7 =	sshll.u32 s6, $0x6  }
0x5: {  	[smem:$0x7FF] =	sst s3;
	s10 =	sor.u32 s7, s5  }
0x6: {  	s2 =	rddreg [dreg:$0x3];
	_ =	strace $0x80000047;
	s5 =	sshrl.u32 s10, $0x3  }
0x7: {  	s11 =	ssub.s32 $0x2, s6;
	s5 =	sadd.s32 s4, s5;
	s4 =	simm.s32 $0x2  }
0x8: {  	[tilespmem:s3], [sflag:$0x2] =	stream.linear.gather [hbm4b:s5+s3], $0x40, $0x38;
	[tilespmem:$0x2080] =	vst v63  }
0x9: {  	s8 =	simm.s32 $0x1;
	s12 =	sshrl.u32 s11, $0x1;
	_ =	swait.ge [sflag:s4], $0x40  }
0xa: {  	s6 =	simm.s32 $0x40;
	s11 =	ssub.s32 s11, s12;
	[sflag:s4] =	ssyncset.done $0x0  }
0xb: {  	s7 =	simm.s32 $0x80;
	s31 =	smax.u32 s11, $0x1;
	[sflag:s4] =	ssyncadd.s32 $0xFFFFFFC0  }
0xc: {  	[tilespmem:s7], [sflag:$0x1] =	stream.indirect.gather [hbm4b:s1+s6], $0x80, s3, s6, $0xb8;
	[tilespmem:$0x2080] =	vst v63  }
0xd: {  	p0 =	sne.s32 s31, $0x1;
	_ =	swait.ge [sflag:s8], $0x2000  }
.Ltmp0:
0xe: {  	s10 =	sshll.u32 s10, $0x4;
	[sflag:s8] =	ssyncset.done $0x0;
	(pc) =	sbr.rel @!p0 .LBB2_2-.Ltmp0, $4  }
0xf: {  	s9 =	sadd.s32 s9, s10;
	[sflag:s8] =	ssyncadd.s32 $0xFFFFE000  }
0x10: {  	[hbm4b:s9+s3] =	stream.linear.scatter [tilespmem:s7], [sflag:$0x2], $0x2000, $0x38;
	[tilespmem:$0x2080] =	vst v63  }
0x11: {  	_ =	swait.ge [sflag:s4], $0x2000  }
0x12: {  	s10 =	sadd.s32 $0xFFFFFFFF, s31;
	[sflag:s4] =	ssyncset.done $0x0  }
.LBB2_1:
0x13: {  	p0 =	sne.s32 s10, $0x1;
	s10 =	sadd.s32 $0xFFFFFFFF, s10;
	[sflag:s4] =	ssyncadd.s32 $0xFFFFE000  }
0x14: {  	[tilespmem:s3], [sflag:$0x2] =	stream.linear.gather [hbm4b:s5+s3], $0x40, $0x38;
	[tilespmem:$0x2080] =	vst v63  }
0x15: {  	_ =	swait.ge [sflag:s4], $0x40  }
0x16: {  	[sflag:s4] =	ssyncset.done $0x0  }
0x17: {  	[sflag:s4] =	ssyncadd.s32 $0xFFFFFFC0  }
0x18: {  	[tilespmem:s7], [sflag:$0x1] =	stream.indirect.gather [hbm4b:s1+s6], $0x80, s3, s6, $0xb8;
	[tilespmem:$0x2080] =	vst v63  }
0x19: {  	_ =	swait.ge [sflag:s8], $0x2000  }
.Ltmp1:
0x1a: {  	[sflag:s8] =	ssyncset.done $0x0;
	(pc) =	sbr.rel @p0 .LBB2_1-.Ltmp1, $4  }
0x1b: {  	[sflag:s8] =	ssyncadd.s32 $0xFFFFE000  }
0x1c: {  	[hbm4b:s9+s3] =	stream.linear.scatter [tilespmem:s7], [sflag:$0x2], $0x2000, $0x38;
	[tilespmem:$0x2080] =	vst v63  }
0x1d: {  	_ =	swait.ge [sflag:s4], $0x2000  }
0x1e: {  	[sflag:s4] =	ssyncset.done $0x0  }
.LBB2_2:
0x1f: {  	[sflag:s4] =	ssyncadd.s32 $0xFFFFE000  }
0x20: {  	_ =	sfence.sel $0x180000  }
0x21: {  	[bflag:$0x0] =	sbarrier.arrive $0xFFFF  }
0x22: {  	p0 =	sne.s32 s0, $0x0;
	_ =	strace $0x90000047  }
0x23: {  	s0 =	sadd.s32 @!p0 $0x100000, s2;
	[bflag:$0x2] =	sbarrier.arrive $0xFFFF  }
0x24: {  	[sflag:s0] =	ssyncadd.tile.s32 @!p0 $0x1;
	_ =	shalt  }
.Lfunc_end2:
_tile_overlayer_lowered:
.L_overlay_start_2:
0x25: {  	(tag) =	ssettag $0x2  }
0x26: {  	s0 =	rddreg [dreg:$0x0];
	s2 =	stileid.u32  }
0x27: {  	s1 =	rddreg [dreg:$0x1];
	p0 =	sne.s32 s2, $0x0  }
0x28: {  	s3 =	rddreg [dreg:$0x2];
	[bflag:$0x3] =	sbarrier.arrive $0xFFFF;
	s2 =	simm.s32 @!p0 $0x1C02  }
0x29: {  	[timem:s3], [sflag:s2] =	dma.local @!p0 [hbm:s0], s1  }
0x2a: {  	s0 =	simm.s32 @!p0 $0x2  }
0x2b: {  	_ =	swait.ge @!p0 [sflag:s0], s1  }
0x2c: {  	s1 =	ssub.s32 @!p0 $0x0, s1;
	[sflag:s0] =	ssyncset.done @!p0 $0x0  }
0x2d: {  	[sflag:s0] =	ssyncadd.s32 @!p0 s1  }
0x2e: {  	[bflag:$0x3] =	sbarrier.arrive $0xFFFF  }
0x2f: {  	_ =	shalt  }

</sc_bundles>
